<compile_context>
chip_gen: v7x
topology: tpu7x:2x2x1
jax: 0.10.2.dev20260603
libtpu: 0.0.44.dev20260713+nightly
codegen_flags: <defaults>
</compile_context>

<pallas_src>
import functools

import jax
import jax.numpy as jnp
import numpy as np
from jax.experimental import pallas as pl
from jax.experimental.pallas import tpu as pltpu
from jax.experimental.pallas import tpu_sc as plsc

_RATIO = 0.5
_RADIUS = 0.2
_K = 64


def _fps_body(n_pts, n_samples, cols, pv_ref, ps_ref, idx_ref, poss_ref):
    px = pv_ref[0]
    py = pv_ref[1]
    pz = pv_ref[2]
    rowi = jax.lax.broadcasted_iota(jnp.int32, (8, cols), 0)
    coli = jax.lax.broadcasted_iota(jnp.int32, (8, cols), 1)
    flat = rowi * cols + coli
    valid = flat < n_pts
    idx_ref[0] = 0
    poss_ref[0, 0] = ps_ref[0, 0]
    poss_ref[1, 0] = ps_ref[1, 0]
    poss_ref[2, 0] = ps_ref[2, 0]
    neg_inf = jnp.float32(-jnp.inf)
    dists0 = jnp.where(valid, jnp.float32(jnp.inf), neg_inf)

    def body(i, carry):
        dists, last = carry
        lx = ps_ref[0, last]
        ly = ps_ref[1, last]
        lz = ps_ref[2, last]
        dx = px - lx
        dy = py - ly
        dz = pz - lz
        d = dx * dx + dy * dy + dz * dz
        dists = jnp.minimum(dists, d)
        m = jnp.max(dists)
        cand = jnp.where(dists == m, flat, jnp.int32(2 ** 30))
        nxt = jnp.min(cand).astype(jnp.int32)
        idx_ref[i] = nxt
        poss_ref[0, i] = ps_ref[0, nxt]
        poss_ref[1, i] = ps_ref[1, nxt]
        poss_ref[2, i] = ps_ref[2, nxt]
        return dists, nxt

    jax.lax.fori_loop(1, n_samples, body, (dists0, jnp.int32(0)))


def _run_fps(pos):
    n_pts = pos.shape[0]
    n_samples = int(n_pts * _RATIO)
    cols = ((n_pts + 8 * 128 - 1) // (8 * 128)) * 128
    pad = 8 * cols - n_pts
    ps = jnp.pad(pos.T, ((0, 0), (0, pad)))
    pv = ps.reshape(3, 8, cols)
    idx, pos_s_t = pl.pallas_call(
        functools.partial(_fps_body, n_pts, n_samples, cols),
        in_specs=[
            pl.BlockSpec(memory_space=pltpu.VMEM),
            pl.BlockSpec(memory_space=pltpu.SMEM),
        ],
        out_specs=[
            pl.BlockSpec(memory_space=pltpu.SMEM),
            pl.BlockSpec(memory_space=pltpu.SMEM),
        ],
        out_shape=[
            jax.ShapeDtypeStruct((n_samples,), jnp.int32),
            jax.ShapeDtypeStruct((3, n_samples), jnp.float32),
        ],
    )(pv, ps)
    return idx, pos_s_t.T


_R2F = np.float32(_RADIUS * _RADIUS)


def _thresh_body(cols, d2_ref, slot_ref, cnt_ref):
    d2i = jax.lax.bitcast_convert_type(d2_ref[:], jnp.int32)
    r2i = int(np.float32(_R2F).view(np.int32))
    lo0 = jnp.zeros((8, 1), jnp.int32)
    hi0 = jnp.full((8, 1), r2i, jnp.int32)

    def it(_, lohi):
        lo, hi = lohi
        mid = (lo + hi) // 2
        cnt = jnp.sum(jnp.where(d2i <= mid, 1, 0).astype(jnp.int32),
                      axis=1, keepdims=True)
        pred = cnt >= _K
        return jnp.where(pred, lo, mid), jnp.where(pred, mid, hi)

    lo, hi = jax.lax.fori_loop(0, 31, it, (lo0, hi0))

    maskw = d2i <= hi
    lane = jax.lax.broadcasted_iota(jnp.int32, (8, cols), 1)
    S = maskw.astype(jnp.int32)
    k = 1
    while k < cols:
        S = S + jnp.where(lane >= k, pltpu.roll(S, k, 1), 0)
        k *= 2
    slot_ref[:] = jnp.where(maskw & (S <= _K), S - 1, 80 + lane % 16)
    cnt_ref[:] = jnp.minimum(S[:, cols - 1:cols], _K)


def _run_thresh(d2p):
    n_s, cols = d2p.shape
    slot, cnt = pl.pallas_call(
        functools.partial(_thresh_body, cols),
        grid=(n_s // 8,),
        in_specs=[pl.BlockSpec((8, cols), lambda i: (i, 0))],
        out_specs=[
            pl.BlockSpec((8, cols), lambda i: (i, 0)),
            pl.BlockSpec((8, 1), lambda i: (i, 0)),
        ],
        out_shape=[
            jax.ShapeDtypeStruct((n_s, cols), jnp.int32),
            jax.ShapeDtypeStruct((n_s, 1), jnp.int32),
        ],
    )(d2p)
    return slot, cnt.reshape(n_s)


_NW = 32
_RPW = 160
_OUTW = 64
_JUNK = 64


def _compact_kernel_fn(n_rows, n_words, slot_hbm, nbr_hbm, srow_v, idx_v):
    n_chunks = n_words // 16
    wid = jax.lax.axis_index("s") * 2 + jax.lax.axis_index("c")
    r0 = wid * _RPW

    def row_body(i, _):
        row = r0 + i

        @pl.when(row < n_rows)
        def _():
            off = pl.multiple_of(row * n_words, 8)
            pltpu.sync_copy(slot_hbm.at[pl.ds(off, n_words)], srow_v)
            for b in range(4):
                idx_v[pl.ds(16 * b, 16)] = jnp.zeros((16,), jnp.int32)

            iv0 = jax.lax.iota(jnp.int32, 16)

            def chunk_body(c, _):
                slots = srow_v[pl.ds(c * 16, 16)]
                plsc.store_scatter(idx_v, [slots], iv0 + c * 16)
                return 0

            jax.lax.fori_loop(0, n_chunks, chunk_body, 0)
            pltpu.sync_copy(idx_v.at[pl.ds(0, _OUTW)],
                            nbr_hbm.at[pl.ds(row * _OUTW, _OUTW)])

        return 0

    jax.lax.fori_loop(0, _RPW, row_body, 0)


def _run_compact(slots):
    n_rows, n_words = slots.shape
    mesh = plsc.VectorSubcoreMesh(core_axis_name="c", subcore_axis_name="s")
    fn = functools.partial(
        pl.kernel,
        mesh=mesh,
        out_type=jax.ShapeDtypeStruct((_NW * _RPW * _OUTW,), jnp.int32),
        scratch_types=[
            pltpu.VMEM((n_words,), jnp.int32),
            pltpu.VMEM((96,), jnp.int32),
        ],
        compiler_params=pltpu.CompilerParams(needs_layout_passes=False),
    )(functools.partial(_compact_kernel_fn, n_rows, n_words))
    out = fn(slots.reshape(-1)).reshape(_NW * _RPW, _OUTW)
    return out[:n_rows]


def _mm_body(a_ref, b_ref, o_ref):
    o_ref[:] = jnp.dot(a_ref[:], b_ref[:], preferred_element_type=jnp.float32)


def _run_x1(x, W1a):
    n, d = x.shape
    blk = 1024
    npad = ((n + blk - 1) // blk) * blk
    xp = jnp.pad(x, ((0, npad - n), (0, 0)))
    out = pl.pallas_call(
        _mm_body,
        grid=(npad // blk,),
        in_specs=[
            pl.BlockSpec((blk, d), lambda i: (i, 0)),
            pl.BlockSpec((d, 128), lambda i: (0, 0)),
        ],
        out_specs=pl.BlockSpec((blk, 128), lambda i: (i, 0)),
        out_shape=jax.ShapeDtypeStruct((npad, 128), jnp.float32),
    )(xp, W1a)
    return out[:n]


def _mlp_body(c_blk, x1j_ref, rel_ref, msk_ref, w1b_ref, b1_ref, w2_ref,
              b2_ref, w3_ref, b3_ref, o_ref):
    h = x1j_ref[:] + jnp.dot(rel_ref[:], w1b_ref[:],
                             preferred_element_type=jnp.float32) + b1_ref[:]
    h = jnp.maximum(h, 0.0)
    h = jnp.dot(h, w2_ref[:], preferred_element_type=jnp.float32) + b2_ref[:]
    h = jnp.maximum(h, 0.0)
    h = jnp.dot(h, w3_ref[:], preferred_element_type=jnp.float32) + b3_ref[:]
    h = jnp.where(msk_ref[:] > 0, h, jnp.float32(-jnp.inf))
    hm = h.reshape(c_blk, _K, h.shape[-1])
    w = _K
    while w > 1:
        w //= 2
        hm = jnp.maximum(hm[:, :w], hm[:, w:2 * w])
    o_ref[:] = hm[:, 0]


def _run_mlp(x1j, rel8, maskf, W1b8, b1, W2, b2, W3, b3, n_samples):
    c_blk = 8
    rows = c_blk * _K
    d_out = W3.shape[1]
    grid = n_samples // c_blk
    out = pl.pallas_call(
        functools.partial(_mlp_body, c_blk),
        grid=(grid,),
        in_specs=[
            pl.BlockSpec((rows, 128), lambda i: (i, 0)),
            pl.BlockSpec((rows, 8), lambda i: (i, 0)),
            pl.BlockSpec((rows, 1), lambda i: (i, 0)),
            pl.BlockSpec((8, 128), lambda i: (0, 0)),
            pl.BlockSpec((1, 128), lambda i: (0, 0)),
            pl.BlockSpec((128, 128), lambda i: (0, 0)),
            pl.BlockSpec((1, 128), lambda i: (0, 0)),
            pl.BlockSpec((128, d_out), lambda i: (0, 0)),
            pl.BlockSpec((1, d_out), lambda i: (0, 0)),
        ],
        out_specs=pl.BlockSpec((c_blk, d_out), lambda i: (i, 0)),
        out_shape=jax.ShapeDtypeStruct((n_samples, d_out), jnp.float32),
    )(x1j, rel8, maskf, W1b8, b1.reshape(1, -1), W2, b2.reshape(1, -1), W3,
      b3.reshape(1, -1))
    return out


def kernel(x, pos, batch, W1, b1, W2, b2, W3, b3):
    idx, pos_s = _run_fps(pos)

    d2 = (jnp.sum(pos_s ** 2, axis=1)[:, None]
          + jnp.sum(pos ** 2, axis=1)[None, :]
          - 2.0 * (pos_s @ pos.T))
    d2 = jnp.maximum(d2, 0.0)
    d2 = jnp.where(d2 <= _RADIUS * _RADIUS, d2, jnp.inf)

    n_s, n_pts = d2.shape
    cols = ((n_pts + 127) // 128) * 128
    d2p = jnp.pad(d2, ((0, 0), (0, cols - n_pts)),
                  constant_values=jnp.inf)
    slotv, cnt = _run_thresh(d2p)
    nbr = _run_compact(slotv)
    q = jnp.arange(1, _K + 1, dtype=jnp.int32)
    maskq = q[None, :] <= cnt[:, None]
    nbr = jnp.where(maskq, nbr, 0)
    maskf = maskq.astype(jnp.float32).reshape(-1, 1)

    X1 = _run_x1(x, W1[:128])
    flat_nbr = nbr.reshape(-1)
    x1j = X1[flat_nbr]
    rel = pos[flat_nbr] - jnp.broadcast_to(
        pos_s[:, None, :], (pos_s.shape[0], _K, 3)).reshape(-1, 3)
    rel8 = jnp.pad(rel, ((0, 0), (0, 5)))
    W1b8 = jnp.pad(W1[128:131], ((0, 5), (0, 0)))

    out = _run_mlp(x1j, rel8, maskf, W1b8, b1, W2, b2, W3, b3,
                   pos_s.shape[0])
    return out, pos_s, jnp.take(batch, idx)

# --- scband reference (transcript-rebuilt; emitter-appended) ---
"""Pipeline reference for scband-samodule-20667382628496 (READ-ONLY COPY).

The authoritative reference and input builder live on the scoring server;
editing this copy changes nothing except your own understanding.
"""

import jax, jax.numpy as jnp
import numpy as np

RATIO = 0.5
R = 0.2
MAX_NEIGHBORS = 64
D_FEAT = 128
N_POINTS = 10000


def _fps(pos, n_samples):
    N = pos.shape[0]
    idxs = jnp.zeros((n_samples,), dtype=jnp.int32)
    dists = jnp.full((N,), jnp.inf, dtype=pos.dtype)

    def body(i, state):
        dists, idxs = state
        last = idxs[i - 1]
        d = jnp.sum((pos - pos[last]) ** 2, axis=1)
        dists = jnp.minimum(dists, d)
        nxt = jnp.argmax(dists).astype(jnp.int32)
        idxs = idxs.at[i].set(nxt)
        return (dists, idxs)

    dists, idxs = jax.lax.fori_loop(1, n_samples, body, (dists, idxs))
    return idxs


def _pairwise_sqdist(a, b):
    d2 = jnp.sum(a ** 2, axis=1)[:, None] + jnp.sum(b ** 2, axis=1)[None, :] - 2.0 * (a @ b.T)
    return jnp.maximum(d2, 0.0)


def setup_inputs(seed: int = 0):
    key = jax.random.key(seed)
    ks = jax.random.split(key, 6)
    x = jax.random.normal(ks[0], (N_POINTS, D_FEAT), dtype=jnp.float32)
    pos = jax.random.uniform(ks[1], (N_POINTS, 3), dtype=jnp.float32)
    batch = jnp.zeros((N_POINTS,), dtype=jnp.int32)

    def lin(k, fi, fo):
        return jax.random.normal(k, (fi, fo), dtype=jnp.float32) * (1.0 / np.sqrt(fi))

    W1 = lin(ks[2], D_FEAT + 3, 128)
    b1 = jnp.zeros((128,), jnp.float32)
    W2 = lin(ks[3], 128, 128)
    b2 = jnp.zeros((128,), jnp.float32)
    W3 = lin(ks[4], 128, 256)
    b3 = jnp.zeros((256,), jnp.float32)
    return {"x": x, "pos": pos, "batch": batch, "W1": W1, "b1": b1, "W2": W2, "b2": b2, "W3": W3, "b3": b3}


def reference(x, pos, batch, W1, b1, W2, b2, W3, b3):
    n_samples = int(N_POINTS * RATIO)
    pos_sg = jax.lax.stop_gradient(pos)
    # PyG.fps: farthest point sampling (single graph: batch all zeros)
    idx = _fps(pos_sg, n_samples)
    pos_s = pos[idx]
    # PyG.radius: up to 64 neighbors within radius r of each sampled centroid
    d2 = _pairwise_sqdist(pos_sg[idx], pos_sg)
    d2 = jnp.where(d2 <= R * R, d2, jnp.inf)
    vals, nbr = jax.lax.top_k(-d2, MAX_NEIGHBORS)
    mask = vals > -jnp.inf
    # PointConv: msg = nn(concat([x_j, pos_j - pos_i])), max-aggregate
    x_j = x[nbr]
    rel = pos[nbr] - pos_s[:, None, :]
    msg = jnp.concatenate([x_j, rel], axis=-1)
    h = msg.reshape(-1, msg.shape[-1])
    h = jax.nn.relu(h @ W1 + b1)
    h = jax.nn.relu(h @ W2 + b2)
    h = h @ W3 + b3
    h = h.reshape(n_samples, MAX_NEIGHBORS, -1)
    h = jnp.where(mask[:, :, None], h, -jnp.inf)
    out = jnp.max(h, axis=1)
    return out, pos_s, batch[idx]

if __name__ == "__main__":
    import jax
    _d = setup_inputs()
    print(jax.jit(kernel)(*tuple(_d.values())))

</pallas_src>

<mosaic_0001>
#map = affine_map<(d0, d1) -> (0)>
module attributes {stable_mosaic.version = 14 : i64} {
  func.func @_compact_kernel_fn(%arg0: i32, %arg1: i32, %arg2: memref<50560000xi32, #tpu.memory_space<hbm>>, %arg3: memref<327680xi32, #tpu.memory_space<hbm>>, %arg4: memref<10112xi32, #tpu.memory_space<vmem>>, %arg5: memref<96xi32, #tpu.memory_space<vmem>>) attributes {dimension_semantics = [#tpu.dimension_semantics<core_parallel>, #tpu.dimension_semantics<subcore_parallel>], iteration_bounds = array<i64: 2, 16>, scalar_prefetch = 0 : i64, scratch_operands = 2 : i64, tpu.core_type = #tpu.core_type<sc_vector_subcore>, window_params = [{transform_indices = #map}, {transform_indices = #map}]} {
    %mul3A = arith.constant 2 : i32
    %mul3A_0 = arith.muli %arg1, %mul3A : i32
    %add3A = arith.addi %mul3A_0, %arg0 : i32
    %mul3A_1 = arith.constant 160 : i32
    %mul3A_2 = arith.muli %add3A, %mul3A_1 : i32
    %scan3A = arith.constant 0 : i32
    %scan3A_3 = arith.constant 0 : i32
    %scan3A_4 = arith.constant 160 : i32
    %scan3A_5 = arith.addi %scan3A_3, %scan3A_4 : i32
    %scan3A_6 = arith.constant 1 : i32
    %scan3A_7 = scf.for %scan3A_9 = %scan3A_3 to %scan3A_5 step %scan3A_6 iter_args(%scan3A_10 = %scan3A) -> (i32)  : i32 {
      %add3A_11 = arith.addi %mul3A_2, %scan3A_9 : i32
      %lt3A = arith.constant 5000 : i32
      %lt3A_12 = arith.cmpi slt, %add3A_11, %lt3A : i32
      %convert_element_type3A = arith.extui %lt3A_12 : i1 to i32
      %cond3A = arith.constant 0 : i32
      %cond3A_13 = arith.cmpi ne, %convert_element_type3A, %cond3A : i32
      scf.if %cond3A_13 {
        %mul3A_15 = arith.constant 10112 : i32
        %mul3A_16 = arith.muli %add3A_11, %mul3A_15 : i32
        %multiple_of3A = tpu.assume_multiple %mul3A_16, 8 : i32
        "tpu.region"() ({
          %run_scoped3A = tpu.sem_alloc : memref<!tpu.dma_semaphore, #tpu.memory_space<semaphore_mem>>
          %dma_start3A = tpu.memref_slice %arg2[%multiple_of3A] : memref<50560000xi32, #tpu.memory_space<hbm>> -> memref<10112xi32, #tpu.memory_space<hbm>>
          %dma_start3A_40 = tpu.memref_slice %arg2[%multiple_of3A] : memref<50560000xi32, #tpu.memory_space<hbm>> -> memref<10112xi32, #tpu.memory_space<hbm>>
          tpu.enqueue_dma source(%dma_start3A_40 : memref<10112xi32, #tpu.memory_space<hbm>>) target(%arg4 : memref<10112xi32, #tpu.memory_space<vmem>>) target_semaphore(%run_scoped3A : memref<!tpu.dma_semaphore, #tpu.memory_space<semaphore_mem>>)
          %dma_wait3A = tpu.memref_slice %arg2[%multiple_of3A] : memref<50560000xi32, #tpu.memory_space<hbm>> -> memref<10112xi32, #tpu.memory_space<hbm>>
          %dma_wait3A_41 = tpu.memref_slice %arg2[%multiple_of3A] : memref<50560000xi32, #tpu.memory_space<hbm>> -> memref<10112xi32, #tpu.memory_space<hbm>>
          tpu.wait_dma2 semaphore(%run_scoped3A : memref<!tpu.dma_semaphore, #tpu.memory_space<semaphore_mem>>) src(%dma_wait3A_41 : memref<10112xi32, #tpu.memory_space<hbm>>) dst(%arg4 : memref<10112xi32, #tpu.memory_space<vmem>>)
          tpu.yield
        }) : () -> ()
        %broadcast_in_dim3A = arith.constant 0 : i32
        %broadcast_in_dim3A_17 = vector.broadcast %broadcast_in_dim3A : i32 to vector<16xi32>
        %swap3A = arith.constant 0 : index
        %swap3A_18 = tpu.vector_load %arg5[%swap3A] {strides = array<i32>} : memref<96xi32, #tpu.memory_space<vmem>>, vector<16xi32>,
        tpu.vector_store %arg5[%swap3A], %broadcast_in_dim3A_17 {strides = array<i32>} : memref<96xi32, #tpu.memory_space<vmem>>, vector<16xi32>,
        %broadcast_in_dim3A_19 = arith.constant 0 : i32
        %broadcast_in_dim3A_20 = vector.broadcast %broadcast_in_dim3A_19 : i32 to vector<16xi32>
        %swap3A_21 = arith.constant 16 : index
        %swap3A_22 = tpu.vector_load %arg5[%swap3A_21] {strides = array<i32>} : memref<96xi32, #tpu.memory_space<vmem>>, vector<16xi32>,
        tpu.vector_store %arg5[%swap3A_21], %broadcast_in_dim3A_20 {strides = array<i32>} : memref<96xi32, #tpu.memory_space<vmem>>, vector<16xi32>,
        %broadcast_in_dim3A_23 = arith.constant 0 : i32
        %broadcast_in_dim3A_24 = vector.broadcast %broadcast_in_dim3A_23 : i32 to vector<16xi32>
        %swap3A_25 = arith.constant 32 : index
        %swap3A_26 = tpu.vector_load %arg5[%swap3A_25] {strides = array<i32>} : memref<96xi32, #tpu.memory_space<vmem>>, vector<16xi32>,
        tpu.vector_store %arg5[%swap3A_25], %broadcast_in_dim3A_24 {strides = array<i32>} : memref<96xi32, #tpu.memory_space<vmem>>, vector<16xi32>,
        %broadcast_in_dim3A_27 = arith.constant 0 : i32
        %broadcast_in_dim3A_28 = vector.broadcast %broadcast_in_dim3A_27 : i32 to vector<16xi32>
        %swap3A_29 = arith.constant 48 : index
        %swap3A_30 = tpu.vector_load %arg5[%swap3A_29] {strides = array<i32>} : memref<96xi32, #tpu.memory_space<vmem>>, vector<16xi32>,
        tpu.vector_store %arg5[%swap3A_29], %broadcast_in_dim3A_28 {strides = array<i32>} : memref<96xi32, #tpu.memory_space<vmem>>, vector<16xi32>,
        %iota3A = tpu.iota {dimensions = array<i32: 0>} : vector<16xi32>
        %scan3A_31 = arith.constant 0 : i32
        %scan3A_32 = arith.constant 0 : i32
        %scan3A_33 = arith.constant 632 : i32
        %scan3A_34 = arith.addi %scan3A_32, %scan3A_33 : i32
        %scan3A_35 = arith.constant 1 : i32
        %scan3A_36 = scf.for %scan3A_40 = %scan3A_32 to %scan3A_34 step %scan3A_35 iter_args(%scan3A_41 = %scan3A_31) -> (i32)  : i32 {
          %mul3A_42 = arith.constant 16 : i32
          %mul3A_43 = arith.muli %scan3A_40, %mul3A_42 : i32
          %get3A = arith.index_cast %mul3A_43 : i32 to index
          %get3A_44 = tpu.vector_load %arg4[%get3A] {strides = array<i32>} : memref<10112xi32, #tpu.memory_space<vmem>>, vector<16xi32>,
          %mul3A_45 = arith.constant 16 : i32
          %mul3A_46 = arith.muli %scan3A_40, %mul3A_45 : i32
          %add3A_47 = vector.broadcast %mul3A_46 : i32 to vector<16xi32>
          %add3A_48 = arith.addi %iota3A, %add3A_47 : vector<16xi32>
          tpu.vector_store_idx %arg5[%get3A_44], %add3A_48 : memref<96xi32, #tpu.memory_space<vmem>>[vector<16xi32>], vector<16xi32>,
          %scan3A_49 = arith.constant 0 : i32
          scf.yield %scan3A_49 : i32
        }
        %scan3A_37 = arith.constant 632 : i32
        %mul3A_38 = arith.constant 64 : i32
        %mul3A_39 = arith.muli %add3A_11, %mul3A_38 : i32
        "tpu.region"() ({
          %run_scoped3A = tpu.sem_alloc : memref<!tpu.dma_semaphore, #tpu.memory_space<semaphore_mem>>
          %dma_start3A = arith.constant 0 : i32
          %dma_start3A_40 = tpu.memref_slice %arg5[%dma_start3A] : memref<96xi32, #tpu.memory_space<vmem>> -> memref<64xi32, #tpu.memory_space<vmem>>
          %dma_start3A_41 = tpu.memref_slice %arg3[%mul3A_39] : memref<327680xi32, #tpu.memory_space<hbm>> -> memref<64xi32, #tpu.memory_space<hbm>>
          %dma_start3A_42 = tpu.memref_slice %arg3[%mul3A_39] : memref<327680xi32, #tpu.memory_space<hbm>> -> memref<64xi32, #tpu.memory_space<hbm>>
          %dma_start3A_43 = arith.constant 0 : i32
          %dma_start3A_44 = tpu.memref_slice %arg5[%dma_start3A_43] : memref<96xi32, #tpu.memory_space<vmem>> -> memref<64xi32, #tpu.memory_space<vmem>>
          tpu.enqueue_dma source(%dma_start3A_44 : memref<64xi32, #tpu.memory_space<vmem>>) target(%dma_start3A_42 : memref<64xi32, #tpu.memory_space<hbm>>) target_semaphore(%run_scoped3A : memref<!tpu.dma_semaphore, #tpu.memory_space<semaphore_mem>>)
          %dma_wait3A = arith.constant 0 : i32
          %dma_wait3A_45 = tpu.memref_slice %arg5[%dma_wait3A] : memref<96xi32, #tpu.memory_space<vmem>> -> memref<64xi32, #tpu.memory_space<vmem>>
          %dma_wait3A_46 = tpu.memref_slice %arg3[%mul3A_39] : memref<327680xi32, #tpu.memory_space<hbm>> -> memref<64xi32, #tpu.memory_space<hbm>>
          %dma_wait3A_47 = tpu.memref_slice %arg3[%mul3A_39] : memref<327680xi32, #tpu.memory_space<hbm>> -> memref<64xi32, #tpu.memory_space<hbm>>
          %dma_wait3A_48 = arith.constant 0 : i32
          %dma_wait3A_49 = tpu.memref_slice %arg5[%dma_wait3A_48] : memref<96xi32, #tpu.memory_space<vmem>> -> memref<64xi32, #tpu.memory_space<vmem>>
          tpu.wait_dma2 semaphore(%run_scoped3A : memref<!tpu.dma_semaphore, #tpu.memory_space<semaphore_mem>>) src(%dma_wait3A_49 : memref<64xi32, #tpu.memory_space<vmem>>) dst(%dma_wait3A_47 : memref<64xi32, #tpu.memory_space<hbm>>)
          tpu.yield
        }) : () -> ()
      } else {
      }
      %scan3A_14 = arith.constant 0 : i32
      scf.yield %scan3A_14 : i32
    }
    %scan3A_8 = arith.constant 160 : i32
    return
  }
}

module attributes {stable_mosaic.version = 14 : i64} {
  func.func @_fps_body(%arg0: memref<3x8x1280xf32, #tpu.memory_space<vmem>>, %arg1: memref<3x10240xf32, #tpu.memory_space<smem>>, %arg2: memref<5000xi32, #tpu.memory_space<smem>>, %arg3: memref<3x5000xf32, #tpu.memory_space<smem>>) attributes {dimension_semantics = [], scalar_prefetch = 0 : i64, scratch_operands = 0 : i64, tpu.core_type = #tpu.core_type<tc>} {
    %get3A = arith.constant 0 : index
    %get3A_0 = arith.constant 0 : index
    %get3A_1 = arith.constant 0 : index
    %get3A_2 = vector.load %arg0[%get3A, %get3A_0, %get3A_1] : memref<3x8x1280xf32, #tpu.memory_space<vmem>>, vector<1x8x1280xf32>
    %get3A_3 = vector.shape_cast %get3A_2 : vector<1x8x1280xf32> to vector<8x1280xf32>
    %get3A_4 = arith.constant 1 : index
    %get3A_5 = arith.constant 0 : index
    %get3A_6 = arith.constant 0 : index
    %get3A_7 = vector.load %arg0[%get3A_4, %get3A_5, %get3A_6] : memref<3x8x1280xf32, #tpu.memory_space<vmem>>, vector<1x8x1280xf32>
    %get3A_8 = vector.shape_cast %get3A_7 : vector<1x8x1280xf32> to vector<8x1280xf32>
    %get3A_9 = arith.constant 2 : index
    %get3A_10 = arith.constant 0 : index
    %get3A_11 = arith.constant 0 : index
    %get3A_12 = vector.load %arg0[%get3A_9, %get3A_10, %get3A_11] : memref<3x8x1280xf32, #tpu.memory_space<vmem>>, vector<1x8x1280xf32>
    %get3A_13 = vector.shape_cast %get3A_12 : vector<1x8x1280xf32> to vector<8x1280xf32>
    %iota3A = tpu.iota {dimensions = array<i32: 0>} : vector<8x1280xi32>
    %iota3A_14 = tpu.iota {dimensions = array<i32: 1>} : vector<8x1280xi32>
    %mul3A = arith.constant 1280 : i32
    %mul3A_15 = vector.broadcast %mul3A : i32 to vector<8x1280xi32>
    %mul3A_16 = arith.muli %iota3A, %mul3A_15 : vector<8x1280xi32>
    %add3A = arith.addi %mul3A_16, %iota3A_14 : vector<8x1280xi32>
    %lt3A = arith.constant 10000 : i32
    %lt3A_17 = vector.broadcast %lt3A : i32 to vector<8x1280xi32>
    %lt3A_18 = arith.cmpi slt, %add3A, %lt3A_17 : vector<8x1280xi32>
    %swap3A = arith.constant 0 : i32
    %swap3A_19 = arith.constant 0 : index
    %swap3A_20 = memref.load %arg2[%swap3A_19] : memref<5000xi32, #tpu.memory_space<smem>>
    memref.store %swap3A, %arg2[%swap3A_19] : memref<5000xi32, #tpu.memory_space<smem>>
    %get3A_21 = arith.constant 0 : index
    %get3A_22 = arith.constant 0 : index
    %get3A_23 = memref.load %arg1[%get3A_21, %get3A_22] : memref<3x10240xf32, #tpu.memory_space<smem>>
    %swap3A_24 = arith.constant 0 : index
    %swap3A_25 = arith.constant 0 : index
    %swap3A_26 = memref.load %arg3[%swap3A_24, %swap3A_25] : memref<3x5000xf32, #tpu.memory_space<smem>>
    memref.store %get3A_23, %arg3[%swap3A_24, %swap3A_25] : memref<3x5000xf32, #tpu.memory_space<smem>>
    %get3A_27 = arith.constant 1 : index
    %get3A_28 = arith.constant 0 : index
    %get3A_29 = memref.load %arg1[%get3A_27, %get3A_28] : memref<3x10240xf32, #tpu.memory_space<smem>>
    %swap3A_30 = arith.constant 1 : index
    %swap3A_31 = arith.constant 0 : index
    %swap3A_32 = memref.load %arg3[%swap3A_30, %swap3A_31] : memref<3x5000xf32, #tpu.memory_space<smem>>
    memref.store %get3A_29, %arg3[%swap3A_30, %swap3A_31] : memref<3x5000xf32, #tpu.memory_space<smem>>
    %get3A_33 = arith.constant 2 : index
    %get3A_34 = arith.constant 0 : index
    %get3A_35 = memref.load %arg1[%get3A_33, %get3A_34] : memref<3x10240xf32, #tpu.memory_space<smem>>
    %swap3A_36 = arith.constant 2 : index
    %swap3A_37 = arith.constant 0 : index
    %swap3A_38 = memref.load %arg3[%swap3A_36, %swap3A_37] : memref<3x5000xf32, #tpu.memory_space<smem>>
    memref.store %get3A_35, %arg3[%swap3A_36, %swap3A_37] : memref<3x5000xf32, #tpu.memory_space<smem>>
    %jit3A = arith.constant 0x7F800000 : f32
    %jit3A_39 = arith.constant 0xFF800000 : f32
    %broadcast_in_dim3A = vector.broadcast %jit3A : f32 to vector<8x1280xf32>
    %broadcast_in_dim3A_40 = vector.broadcast %jit3A_39 : f32 to vector<8x1280xf32>
    %select_n3A = arith.select %lt3A_18, %broadcast_in_dim3A, %broadcast_in_dim3A_40 : vector<8x1280xi1>, vector<8x1280xf32>
    %scan3A = arith.constant 0 : i32
    %scan3A_41 = arith.constant 1 : i32
    %scan3A_42 = arith.constant 4999 : i32
    %scan3A_43 = arith.addi %scan3A_41, %scan3A_42 : i32
    %scan3A_44 = arith.constant 1 : i32
    %scan3A_45:2 = scf.for %scan3A_47 = %scan3A_41 to %scan3A_43 step %scan3A_44 iter_args(%scan3A_48 = %select_n3A, %scan3A_49 = %scan3A) -> (vector<8x1280xf32>, i32)  : i32 {
      %get3A_50 = arith.constant 0 : index
      %get3A_51 = arith.index_cast %scan3A_49 : i32 to index
      %get3A_52 = memref.load %arg1[%get3A_50, %get3A_51] : memref<3x10240xf32, #tpu.memory_space<smem>>
      %get3A_53 = arith.constant 1 : index
      %get3A_54 = arith.index_cast %scan3A_49 : i32 to index
      %get3A_55 = memref.load %arg1[%get3A_53, %get3A_54] : memref<3x10240xf32, #tpu.memory_space<smem>>
      %get3A_56 = arith.constant 2 : index
      %get3A_57 = arith.index_cast %scan3A_49 : i32 to index
      %get3A_58 = memref.load %arg1[%get3A_56, %get3A_57] : memref<3x10240xf32, #tpu.memory_space<smem>>
      %sub3A = vector.broadcast %get3A_52 : f32 to vector<8x1280xf32>
      %sub3A_59 = arith.subf %get3A_3, %sub3A : vector<8x1280xf32>
      %sub3A_60 = vector.broadcast %get3A_55 : f32 to vector<8x1280xf32>
      %sub3A_61 = arith.subf %get3A_8, %sub3A_60 : vector<8x1280xf32>
      %sub3A_62 = vector.broadcast %get3A_58 : f32 to vector<8x1280xf32>
      %sub3A_63 = arith.subf %get3A_13, %sub3A_62 : vector<8x1280xf32>
      %mul3A_64 = arith.mulf %sub3A_59, %sub3A_59 : vector<8x1280xf32>
      %mul3A_65 = arith.mulf %sub3A_61, %sub3A_61 : vector<8x1280xf32>
      %add3A_66 = arith.addf %mul3A_64, %mul3A_65 : vector<8x1280xf32>
      %mul3A_67 = arith.mulf %sub3A_63, %sub3A_63 : vector<8x1280xf32>
      %add3A_68 = arith.addf %add3A_66, %mul3A_67 : vector<8x1280xf32>
      %min3A = arith.minimumf %scan3A_48, %add3A_68 : vector<8x1280xf32>
      %reduce_max3A = vector.shape_cast %min3A : vector<8x1280xf32> to vector<1x8x1280xf32>
      %reduce_max3A_69 = arith.constant dense<0xFF800000> : vector<1xf32>
      %reduce_max3A_70 = vector.multi_reduction <maximumf>, %reduce_max3A, %reduce_max3A_69 [1, 2] : vector<1x8x1280xf32> to vector<1xf32>
      %reduce_max3A_71 = vector.shape_cast %reduce_max3A_70 : vector<1xf32> to vector<1x1x1xf32>
      %reduce_max3A_72 = vector.extract %reduce_max3A_71[0, 0, 0] : f32 from vector<1x1x1xf32>
      %eq3A = vector.broadcast %reduce_max3A_72 : f32 to vector<8x1280xf32>
      %eq3A_73 = arith.cmpf oeq, %min3A, %eq3A : vector<8x1280xf32>
      %jit3A_74 = arith.constant 1073741824 : i32
      %broadcast_in_dim3A_75 = vector.broadcast %jit3A_74 : i32 to vector<8x1280xi32>
      %select_n3A_76 = arith.select %eq3A_73, %add3A, %broadcast_in_dim3A_75 : vector<8x1280xi1>, vector<8x1280xi32>
      %reduce_min3A = vector.shape_cast %select_n3A_76 : vector<8x1280xi32> to vector<1x8x1280xi32>
      %reduce_min3A_77 = arith.constant dense<2147483647> : vector<1xi32>
      %reduce_min3A_78 = vector.multi_reduction <minsi>, %reduce_min3A, %reduce_min3A_77 [1, 2] : vector<1x8x1280xi32> to vector<1xi32>
      %reduce_min3A_79 = vector.shape_cast %reduce_min3A_78 : vector<1xi32> to vector<1x1x1xi32>
      %reduce_min3A_80 = vector.extract %reduce_min3A_79[0, 0, 0] : i32 from vector<1x1x1xi32>
      %swap3A_81 = arith.index_cast %scan3A_47 : i32 to index
      %swap3A_82 = memref.load %arg2[%swap3A_81] : memref<5000xi32, #tpu.memory_space<smem>>
      memref.store %reduce_min3A_80, %arg2[%swap3A_81] : memref<5000xi32, #tpu.memory_space<smem>>
      %get3A_83 = arith.constant 0 : index
      %get3A_84 = arith.index_cast %reduce_min3A_80 : i32 to index
      %get3A_85 = memref.load %arg1[%get3A_83, %get3A_84] : memref<3x10240xf32, #tpu.memory_space<smem>>
      %swap3A_86 = arith.constant 0 : index
      %swap3A_87 = arith.index_cast %scan3A_47 : i32 to index
      %swap3A_88 = memref.load %arg3[%swap3A_86, %swap3A_87] : memref<3x5000xf32, #tpu.memory_space<smem>>
      memref.store %get3A_85, %arg3[%swap3A_86, %swap3A_87] : memref<3x5000xf32, #tpu.memory_space<smem>>
      %get3A_89 = arith.constant 1 : index
      %get3A_90 = arith.index_cast %reduce_min3A_80 : i32 to index
      %get3A_91 = memref.load %arg1[%get3A_89, %get3A_90] : memref<3x10240xf32, #tpu.memory_space<smem>>
      %swap3A_92 = arith.constant 1 : index
      %swap3A_93 = arith.index_cast %scan3A_47 : i32 to index
      %swap3A_94 = memref.load %arg3[%swap3A_92, %swap3A_93] : memref<3x5000xf32, #tpu.memory_space<smem>>
      memref.store %get3A_91, %arg3[%swap3A_92, %swap3A_93] : memref<3x5000xf32, #tpu.memory_space<smem>>
      %get3A_95 = arith.constant 2 : index
      %get3A_96 = arith.index_cast %reduce_min3A_80 : i32 to index
      %get3A_97 = memref.load %arg1[%get3A_95, %get3A_96] : memref<3x10240xf32, #tpu.memory_space<smem>>
      %swap3A_98 = arith.constant 2 : index
      %swap3A_99 = arith.index_cast %scan3A_47 : i32 to index
      %swap3A_100 = memref.load %arg3[%swap3A_98, %swap3A_99] : memref<3x5000xf32, #tpu.memory_space<smem>>
      memref.store %get3A_97, %arg3[%swap3A_98, %swap3A_99] : memref<3x5000xf32, #tpu.memory_space<smem>>
      scf.yield %min3A, %reduce_min3A_80 : vector<8x1280xf32>, i32
    }
    %scan3A_46 = arith.constant 4999 : i32
    return
  }
}

module attributes {stable_mosaic.version = 14 : i64} {
  func.func @_thresh_body(%arg0: i32, %arg1: memref<8x10112xf32, #tpu.memory_space<vmem>>, %arg2: memref<8x10112xi32, #tpu.memory_space<vmem>>, %arg3: memref<8x1xi32, #tpu.memory_space<vmem>>) attributes {dimension_semantics = [#tpu.dimension_semantics<arbitrary>], iteration_bounds = array<i64: 625>, scalar_prefetch = 0 : i64, scratch_operands = 0 : i64, tpu.core_type = #tpu.core_type<tc>, window_params = [{transform_indices = @transform_0, window_bounds = array<i64: 8, 10112>}, {transform_indices = @transform_1, window_bounds = array<i64: 8, 10112>}, {transform_indices = @transform_2, window_bounds = array<i64: 8, 1>}]} {
    %get3A = arith.constant 0 : index
    %get3A_0 = arith.constant 0 : index
    %get3A_1 = vector.load %arg1[%get3A, %get3A_0] : memref<8x10112xf32, #tpu.memory_space<vmem>>, vector<8x10112xf32>
    %bitcast_convert_type3A = tpu.bitcast %get3A_1 : vector<8x10112xf32> -> vector<8x10112xi32>
    %broadcast_in_dim3A = arith.constant 0 : i32
    %broadcast_in_dim3A_2 = vector.broadcast %broadcast_in_dim3A : i32 to vector<8x1xi32>
    %broadcast_in_dim3A_3 = arith.constant 1025758986 : i32
    %broadcast_in_dim3A_4 = vector.broadcast %broadcast_in_dim3A_3 : i32 to vector<8x1xi32>
    %scan3A = arith.constant 0 : i32
    %scan3A_5 = arith.constant 31 : i32
    %scan3A_6 = arith.addi %scan3A, %scan3A_5 : i32
    %scan3A_7 = arith.constant 1 : i32
    %scan3A_8:2 = scf.for %scan3A_165 = %scan3A to %scan3A_6 step %scan3A_7 iter_args(%scan3A_166 = %broadcast_in_dim3A_2, %scan3A_167 = %broadcast_in_dim3A_4) -> (vector<8x1xi32>, vector<8x1xi32>)  : i32 {
      %add3A_168 = arith.addi %scan3A_166, %scan3A_167 : vector<8x1xi32>
      %jit3A_169 = arith.constant 2 : i32
      %div3A = vector.broadcast %jit3A_169 : i32 to vector<8x1xi32>
      %div3A_170 = arith.divsi %add3A_168, %div3A : vector<8x1xi32>
      %sign3A = arith.constant 0 : i32
      %sign3A_171 = vector.broadcast %sign3A : i32 to vector<8x1xi32>
      %sign3A_172 = arith.cmpi sgt, %add3A_168, %sign3A_171 : vector<8x1xi32>
      %sign3A_173 = arith.extui %sign3A_172 : vector<8x1xi1> to vector<8x1xi32>
      %sign3A_174 = arith.constant 0 : i32
      %sign3A_175 = vector.broadcast %sign3A_174 : i32 to vector<8x1xi32>
      %sign3A_176 = arith.cmpi slt, %add3A_168, %sign3A_175 : vector<8x1xi32>
      %sign3A_177 = arith.extui %sign3A_176 : vector<8x1xi1> to vector<8x1xi32>
      %sign3A_178 = arith.subi %sign3A_173, %sign3A_177 : vector<8x1xi32>
      %sign3A_179 = arith.constant 0 : i32
      %sign3A_180 = arith.cmpi sgt, %jit3A_169, %sign3A_179 : i32
      %sign3A_181 = arith.extui %sign3A_180 : i1 to i32
      %sign3A_182 = arith.constant 0 : i32
      %sign3A_183 = arith.cmpi slt, %jit3A_169, %sign3A_182 : i32
      %sign3A_184 = arith.extui %sign3A_183 : i1 to i32
      %sign3A_185 = arith.subi %sign3A_181, %sign3A_184 : i32
      %ne3A_186 = vector.broadcast %sign3A_185 : i32 to vector<8x1xi32>
      %ne3A_187 = arith.cmpi ne, %sign3A_178, %ne3A_186 : vector<8x1xi32>
      %rem3A_188 = vector.broadcast %jit3A_169 : i32 to vector<8x1xi32>
      %rem3A_189 = arith.remsi %add3A_168, %rem3A_188 : vector<8x1xi32>
      %ne3A_190 = arith.constant 0 : i32
      %ne3A_191 = vector.broadcast %ne3A_190 : i32 to vector<8x1xi32>
      %ne3A_192 = arith.cmpi ne, %rem3A_189, %ne3A_191 : vector<8x1xi32>
      %and3A_193 = arith.andi %ne3A_187, %ne3A_192 : vector<8x1xi1>
      %sub3A_194 = arith.constant 1 : i32
      %sub3A_195 = vector.broadcast %sub3A_194 : i32 to vector<8x1xi32>
      %sub3A_196 = arith.subi %div3A_170, %sub3A_195 : vector<8x1xi32>
      %select_n3A_197 = arith.select %and3A_193, %sub3A_196, %div3A_170 : vector<8x1xi1>, vector<8x1xi32>
      %le3A_198 = vector.broadcast %select_n3A_197 : vector<8x1xi32> to vector<8x10112xi32>
      %le3A_199 = arith.cmpi sle, %bitcast_convert_type3A, %le3A_198 : vector<8x10112xi32>
      %jit3A_200 = arith.constant 1 : i32
      %jit3A_201 = arith.constant 0 : i32
      %broadcast_in_dim3A_202 = vector.broadcast %jit3A_200 : i32 to vector<8x10112xi32>
      %broadcast_in_dim3A_203 = vector.broadcast %jit3A_201 : i32 to vector<8x10112xi32>
      %select_n3A_204 = arith.select %le3A_199, %broadcast_in_dim3A_202, %broadcast_in_dim3A_203 : vector<8x10112xi1>, vector<8x10112xi32>
      %reduce_sum3A = arith.constant dense<0> : vector<8xi32>
      %reduce_sum3A_205 = vector.multi_reduction <add>, %select_n3A_204, %reduce_sum3A [1] : vector<8x10112xi32> to vector<8xi32>
      %broadcast_in_dim3A_206 = vector.shape_cast %reduce_sum3A_205 : vector<8xi32> to vector<8x1xi32>
      %ge3A_207 = arith.constant 64 : i32
      %ge3A_208 = vector.broadcast %ge3A_207 : i32 to vector<8x1xi32>
      %ge3A_209 = arith.cmpi sge, %broadcast_in_dim3A_206, %ge3A_208 : vector<8x1xi32>
      %select_n3A_210 = arith.select %ge3A_209, %scan3A_166, %select_n3A_197 : vector<8x1xi1>, vector<8x1xi32>
      %select_n3A_211 = arith.select %ge3A_209, %select_n3A_197, %scan3A_167 : vector<8x1xi1>, vector<8x1xi32>
      scf.yield %select_n3A_210, %select_n3A_211 : vector<8x1xi32>, vector<8x1xi32>
    }
    %le3A = vector.broadcast %scan3A_8#1 : vector<8x1xi32> to vector<8x10112xi32>
    %le3A_9 = arith.cmpi sle, %bitcast_convert_type3A, %le3A : vector<8x10112xi32>
    %iota3A = tpu.iota {dimensions = array<i32: 1>} : vector<8x10112xi32>
    %convert_element_type3A = arith.extui %le3A_9 : vector<8x10112xi1> to vector<8x10112xi32>
    %ge3A = arith.constant 1 : i32
    %ge3A_10 = vector.broadcast %ge3A : i32 to vector<8x10112xi32>
    %ge3A_11 = arith.cmpi sge, %iota3A, %ge3A_10 : vector<8x10112xi32>
    %roll3A = arith.constant 1 : i32
    %roll3A_12 = tpu.dynamic_rotate %convert_element_type3A by %roll3A dim 1 : vector<8x10112xi32>, i32 -> vector<8x10112xi32>
    %jit3A = arith.constant 0 : i32
    %broadcast_in_dim3A_13 = vector.broadcast %jit3A : i32 to vector<8x10112xi32>
    %select_n3A = arith.select %ge3A_11, %roll3A_12, %broadcast_in_dim3A_13 : vector<8x10112xi1>, vector<8x10112xi32>
    %add3A = arith.addi %convert_element_type3A, %select_n3A : vector<8x10112xi32>
    %ge3A_14 = arith.constant 2 : i32
    %ge3A_15 = vector.broadcast %ge3A_14 : i32 to vector<8x10112xi32>
    %ge3A_16 = arith.cmpi sge, %iota3A, %ge3A_15 : vector<8x10112xi32>
    %roll3A_17 = arith.constant 2 : i32
    %roll3A_18 = tpu.dynamic_rotate %add3A by %roll3A_17 dim 1 : vector<8x10112xi32>, i32 -> vector<8x10112xi32>
    %jit3A_19 = arith.constant 0 : i32
    %broadcast_in_dim3A_20 = vector.broadcast %jit3A_19 : i32 to vector<8x10112xi32>
    %select_n3A_21 = arith.select %ge3A_16, %roll3A_18, %broadcast_in_dim3A_20 : vector<8x10112xi1>, vector<8x10112xi32>
    %add3A_22 = arith.addi %add3A, %select_n3A_21 : vector<8x10112xi32>
    %ge3A_23 = arith.constant 4 : i32
    %ge3A_24 = vector.broadcast %ge3A_23 : i32 to vector<8x10112xi32>
    %ge3A_25 = arith.cmpi sge, %iota3A, %ge3A_24 : vector<8x10112xi32>
    %roll3A_26 = arith.constant 4 : i32
    %roll3A_27 = tpu.dynamic_rotate %add3A_22 by %roll3A_26 dim 1 : vector<8x10112xi32>, i32 -> vector<8x10112xi32>
    %jit3A_28 = arith.constant 0 : i32
    %broadcast_in_dim3A_29 = vector.broadcast %jit3A_28 : i32 to vector<8x10112xi32>
    %select_n3A_30 = arith.select %ge3A_25, %roll3A_27, %broadcast_in_dim3A_29 : vector<8x10112xi1>, vector<8x10112xi32>
    %add3A_31 = arith.addi %add3A_22, %select_n3A_30 : vector<8x10112xi32>
    %ge3A_32 = arith.constant 8 : i32
    %ge3A_33 = vector.broadcast %ge3A_32 : i32 to vector<8x10112xi32>
    %ge3A_34 = arith.cmpi sge, %iota3A, %ge3A_33 : vector<8x10112xi32>
    %roll3A_35 = arith.constant 8 : i32
    %roll3A_36 = tpu.dynamic_rotate %add3A_31 by %roll3A_35 dim 1 : vector<8x10112xi32>, i32 -> vector<8x10112xi32>
    %jit3A_37 = arith.constant 0 : i32
    %broadcast_in_dim3A_38 = vector.broadcast %jit3A_37 : i32 to vector<8x10112xi32>
    %select_n3A_39 = arith.select %ge3A_34, %roll3A_36, %broadcast_in_dim3A_38 : vector<8x10112xi1>, vector<8x10112xi32>
    %add3A_40 = arith.addi %add3A_31, %select_n3A_39 : vector<8x10112xi32>
    %ge3A_41 = arith.constant 16 : i32
    %ge3A_42 = vector.broadcast %ge3A_41 : i32 to vector<8x10112xi32>
    %ge3A_43 = arith.cmpi sge, %iota3A, %ge3A_42 : vector<8x10112xi32>
    %roll3A_44 = arith.constant 16 : i32
    %roll3A_45 = tpu.dynamic_rotate %add3A_40 by %roll3A_44 dim 1 : vector<8x10112xi32>, i32 -> vector<8x10112xi32>
    %jit3A_46 = arith.constant 0 : i32
    %broadcast_in_dim3A_47 = vector.broadcast %jit3A_46 : i32 to vector<8x10112xi32>
    %select_n3A_48 = arith.select %ge3A_43, %roll3A_45, %broadcast_in_dim3A_47 : vector<8x10112xi1>, vector<8x10112xi32>
    %add3A_49 = arith.addi %add3A_40, %select_n3A_48 : vector<8x10112xi32>
    %ge3A_50 = arith.constant 32 : i32
    %ge3A_51 = vector.broadcast %ge3A_50 : i32 to vector<8x10112xi32>
    %ge3A_52 = arith.cmpi sge, %iota3A, %ge3A_51 : vector<8x10112xi32>
    %roll3A_53 = arith.constant 32 : i32
    %roll3A_54 = tpu.dynamic_rotate %add3A_49 by %roll3A_53 dim 1 : vector<8x10112xi32>, i32 -> vector<8x10112xi32>
    %jit3A_55 = arith.constant 0 : i32
    %broadcast_in_dim3A_56 = vector.broadcast %jit3A_55 : i32 to vector<8x10112xi32>
    %select_n3A_57 = arith.select %ge3A_52, %roll3A_54, %broadcast_in_dim3A_56 : vector<8x10112xi1>, vector<8x10112xi32>
    %add3A_58 = arith.addi %add3A_49, %select_n3A_57 : vector<8x10112xi32>
    %ge3A_59 = arith.constant 64 : i32
    %ge3A_60 = vector.broadcast %ge3A_59 : i32 to vector<8x10112xi32>
    %ge3A_61 = arith.cmpi sge, %iota3A, %ge3A_60 : vector<8x10112xi32>
    %roll3A_62 = arith.constant 64 : i32
    %roll3A_63 = tpu.dynamic_rotate %add3A_58 by %roll3A_62 dim 1 : vector<8x10112xi32>, i32 -> vector<8x10112xi32>
    %jit3A_64 = arith.constant 0 : i32
    %broadcast_in_dim3A_65 = vector.broadcast %jit3A_64 : i32 to vector<8x10112xi32>
    %select_n3A_66 = arith.select %ge3A_61, %roll3A_63, %broadcast_in_dim3A_65 : vector<8x10112xi1>, vector<8x10112xi32>
    %add3A_67 = arith.addi %add3A_58, %select_n3A_66 : vector<8x10112xi32>
    %ge3A_68 = arith.constant 128 : i32
    %ge3A_69 = vector.broadcast %ge3A_68 : i32 to vector<8x10112xi32>
    %ge3A_70 = arith.cmpi sge, %iota3A, %ge3A_69 : vector<8x10112xi32>
    %roll3A_71 = arith.constant 128 : i32
    %roll3A_72 = tpu.dynamic_rotate %add3A_67 by %roll3A_71 dim 1 : vector<8x10112xi32>, i32 -> vector<8x10112xi32>
    %jit3A_73 = arith.constant 0 : i32
    %broadcast_in_dim3A_74 = vector.broadcast %jit3A_73 : i32 to vector<8x10112xi32>
    %select_n3A_75 = arith.select %ge3A_70, %roll3A_72, %broadcast_in_dim3A_74 : vector<8x10112xi1>, vector<8x10112xi32>
    %add3A_76 = arith.addi %add3A_67, %select_n3A_75 : vector<8x10112xi32>
    %ge3A_77 = arith.constant 256 : i32
    %ge3A_78 = vector.broadcast %ge3A_77 : i32 to vector<8x10112xi32>
    %ge3A_79 = arith.cmpi sge, %iota3A, %ge3A_78 : vector<8x10112xi32>
    %roll3A_80 = arith.constant 256 : i32
    %roll3A_81 = tpu.dynamic_rotate %add3A_76 by %roll3A_80 dim 1 : vector<8x10112xi32>, i32 -> vector<8x10112xi32>
    %jit3A_82 = arith.constant 0 : i32
    %broadcast_in_dim3A_83 = vector.broadcast %jit3A_82 : i32 to vector<8x10112xi32>
    %select_n3A_84 = arith.select %ge3A_79, %roll3A_81, %broadcast_in_dim3A_83 : vector<8x10112xi1>, vector<8x10112xi32>
    %add3A_85 = arith.addi %add3A_76, %select_n3A_84 : vector<8x10112xi32>
    %ge3A_86 = arith.constant 512 : i32
    %ge3A_87 = vector.broadcast %ge3A_86 : i32 to vector<8x10112xi32>
    %ge3A_88 = arith.cmpi sge, %iota3A, %ge3A_87 : vector<8x10112xi32>
    %roll3A_89 = arith.constant 512 : i32
    %roll3A_90 = tpu.dynamic_rotate %add3A_85 by %roll3A_89 dim 1 : vector<8x10112xi32>, i32 -> vector<8x10112xi32>
    %jit3A_91 = arith.constant 0 : i32
    %broadcast_in_dim3A_92 = vector.broadcast %jit3A_91 : i32 to vector<8x10112xi32>
    %select_n3A_93 = arith.select %ge3A_88, %roll3A_90, %broadcast_in_dim3A_92 : vector<8x10112xi1>, vector<8x10112xi32>
    %add3A_94 = arith.addi %add3A_85, %select_n3A_93 : vector<8x10112xi32>
    %ge3A_95 = arith.constant 1024 : i32
    %ge3A_96 = vector.broadcast %ge3A_95 : i32 to vector<8x10112xi32>
    %ge3A_97 = arith.cmpi sge, %iota3A, %ge3A_96 : vector<8x10112xi32>
    %roll3A_98 = arith.constant 1024 : i32
    %roll3A_99 = tpu.dynamic_rotate %add3A_94 by %roll3A_98 dim 1 : vector<8x10112xi32>, i32 -> vector<8x10112xi32>
    %jit3A_100 = arith.constant 0 : i32
    %broadcast_in_dim3A_101 = vector.broadcast %jit3A_100 : i32 to vector<8x10112xi32>
    %select_n3A_102 = arith.select %ge3A_97, %roll3A_99, %broadcast_in_dim3A_101 : vector<8x10112xi1>, vector<8x10112xi32>
    %add3A_103 = arith.addi %add3A_94, %select_n3A_102 : vector<8x10112xi32>
    %ge3A_104 = arith.constant 2048 : i32
    %ge3A_105 = vector.broadcast %ge3A_104 : i32 to vector<8x10112xi32>
    %ge3A_106 = arith.cmpi sge, %iota3A, %ge3A_105 : vector<8x10112xi32>
    %roll3A_107 = arith.constant 2048 : i32
    %roll3A_108 = tpu.dynamic_rotate %add3A_103 by %roll3A_107 dim 1 : vector<8x10112xi32>, i32 -> vector<8x10112xi32>
    %jit3A_109 = arith.constant 0 : i32
    %broadcast_in_dim3A_110 = vector.broadcast %jit3A_109 : i32 to vector<8x10112xi32>
    %select_n3A_111 = arith.select %ge3A_106, %roll3A_108, %broadcast_in_dim3A_110 : vector<8x10112xi1>, vector<8x10112xi32>
    %add3A_112 = arith.addi %add3A_103, %select_n3A_111 : vector<8x10112xi32>
    %ge3A_113 = arith.constant 4096 : i32
    %ge3A_114 = vector.broadcast %ge3A_113 : i32 to vector<8x10112xi32>
    %ge3A_115 = arith.cmpi sge, %iota3A, %ge3A_114 : vector<8x10112xi32>
    %roll3A_116 = arith.constant 4096 : i32
    %roll3A_117 = tpu.dynamic_rotate %add3A_112 by %roll3A_116 dim 1 : vector<8x10112xi32>, i32 -> vector<8x10112xi32>
    %jit3A_118 = arith.constant 0 : i32
    %broadcast_in_dim3A_119 = vector.broadcast %jit3A_118 : i32 to vector<8x10112xi32>
    %select_n3A_120 = arith.select %ge3A_115, %roll3A_117, %broadcast_in_dim3A_119 : vector<8x10112xi1>, vector<8x10112xi32>
    %add3A_121 = arith.addi %add3A_112, %select_n3A_120 : vector<8x10112xi32>
    %ge3A_122 = arith.constant 8192 : i32
    %ge3A_123 = vector.broadcast %ge3A_122 : i32 to vector<8x10112xi32>
    %ge3A_124 = arith.cmpi sge, %iota3A, %ge3A_123 : vector<8x10112xi32>
    %roll3A_125 = arith.constant 8192 : i32
    %roll3A_126 = tpu.dynamic_rotate %add3A_121 by %roll3A_125 dim 1 : vector<8x10112xi32>, i32 -> vector<8x10112xi32>
    %jit3A_127 = arith.constant 0 : i32
    %broadcast_in_dim3A_128 = vector.broadcast %jit3A_127 : i32 to vector<8x10112xi32>
    %select_n3A_129 = arith.select %ge3A_124, %roll3A_126, %broadcast_in_dim3A_128 : vector<8x10112xi1>, vector<8x10112xi32>
    %add3A_130 = arith.addi %add3A_121, %select_n3A_129 : vector<8x10112xi32>
    %le3A_131 = arith.constant 64 : i32
    %le3A_132 = vector.broadcast %le3A_131 : i32 to vector<8x10112xi32>
    %le3A_133 = arith.cmpi sle, %add3A_130, %le3A_132 : vector<8x10112xi32>
    %and3A = arith.andi %le3A_9, %le3A_133 : vector<8x10112xi1>
    %sub3A = arith.constant 1 : i32
    %sub3A_134 = vector.broadcast %sub3A : i32 to vector<8x10112xi32>
    %sub3A_135 = arith.subi %add3A_130, %sub3A_134 : vector<8x10112xi32>
    %jit3A_136 = arith.constant 16 : i32
    %eq3A = arith.constant 0 : i32
    %eq3A_137 = arith.cmpi eq, %jit3A_136, %eq3A : i32
    %jit3A_138 = arith.constant 1 : i32
    %select_n3A_139 = arith.select %eq3A_137, %jit3A_138, %jit3A_136 : i32
    %rem3A = vector.broadcast %select_n3A_139 : i32 to vector<8x10112xi32>
    %rem3A_140 = arith.remsi %iota3A, %rem3A : vector<8x10112xi32>
    %ne3A = arith.constant 0 : i32
    %ne3A_141 = vector.broadcast %ne3A : i32 to vector<8x10112xi32>
    %ne3A_142 = arith.cmpi ne, %rem3A_140, %ne3A_141 : vector<8x10112xi32>
    %lt3A = arith.constant 0 : i32
    %lt3A_143 = vector.broadcast %lt3A : i32 to vector<8x10112xi32>
    %lt3A_144 = arith.cmpi slt, %rem3A_140, %lt3A_143 : vector<8x10112xi32>
    %lt3A_145 = arith.constant 0 : i32
    %lt3A_146 = arith.cmpi slt, %select_n3A_139, %lt3A_145 : i32
    %ne3A_147 = vector.broadcast %lt3A_146 : i1 to vector<8x10112xi1>
    %ne3A_148 = vector.broadcast %ne3A_147 : vector<8x10112xi1> to vector<8x10112xi1>
    %ne3A_149 = arith.xori %lt3A_144, %ne3A_148 : vector<8x10112xi1>
    %and3A_150 = arith.andi %ne3A_149, %ne3A_142 : vector<8x10112xi1>
    %add3A_151 = vector.broadcast %select_n3A_139 : i32 to vector<8x10112xi32>
    %add3A_152 = arith.addi %rem3A_140, %add3A_151 : vector<8x10112xi32>
    %select_n3A_153 = arith.select %and3A_150, %add3A_152, %rem3A_140 : vector<8x10112xi1>, vector<8x10112xi32>
    %add3A_154 = arith.constant 80 : i32
    %add3A_155 = vector.broadcast %add3A_154 : i32 to vector<8x10112xi32>
    %add3A_156 = arith.addi %add3A_155, %select_n3A_153 : vector<8x10112xi32>
    %select_n3A_157 = arith.select %and3A, %sub3A_135, %add3A_156 : vector<8x10112xi1>, vector<8x10112xi32>
    %swap3A = arith.constant 0 : index
    %swap3A_158 = arith.constant 0 : index
    %swap3A_159 = vector.load %arg2[%swap3A, %swap3A_158] : memref<8x10112xi32, #tpu.memory_space<vmem>>, vector<8x10112xi32>
    tpu.vector_store %arg2[%swap3A, %swap3A_158], %select_n3A_157 {strides = array<i32>} : memref<8x10112xi32, #tpu.memory_space<vmem>>, vector<8x10112xi32>,
    %slice3A = vector.extract_strided_slice %add3A_130 {offsets = [0, 10111], sizes = [8, 1], strides = [1, 1]} : vector<8x10112xi32> to vector<8x1xi32>
    %min3A = arith.constant 64 : i32
    %min3A_160 = vector.broadcast %min3A : i32 to vector<8x1xi32>
    %min3A_161 = arith.minsi %slice3A, %min3A_160 : vector<8x1xi32>
    %swap3A_162 = arith.constant 0 : index
    %swap3A_163 = arith.constant 0 : index
    %swap3A_164 = vector.load %arg3[%swap3A_162, %swap3A_163] : memref<8x1xi32, #tpu.memory_space<vmem>>, vector<8x1xi32>
    tpu.vector_store %arg3[%swap3A_162, %swap3A_163], %min3A_161 {strides = array<i32>} : memref<8x1xi32, #tpu.memory_space<vmem>>, vector<8x1xi32>,
    return
  }
  func.func @transform_0(%arg0: i32) -> (i32, i32) {
    %c0_i32 = arith.constant 0 : i32
    %c0_i32_0 = arith.constant 0 : i32
    return %arg0, %c0_i32 : i32, i32
  }
  func.func @transform_1(%arg0: i32) -> (i32, i32) {
    %c0_i32 = arith.constant 0 : i32
    %c0_i32_0 = arith.constant 0 : i32
    return %arg0, %c0_i32 : i32, i32
  }
  func.func @transform_2(%arg0: i32) -> (i32, i32) {
    %c0_i32 = arith.constant 0 : i32
    %c0_i32_0 = arith.constant 0 : i32
    return %arg0, %c0_i32 : i32, i32
  }
}

module attributes {stable_mosaic.version = 14 : i64} {
  func.func @_mm_body(%arg0: i32, %arg1: memref<1024x128xf32, #tpu.memory_space<vmem>>, %arg2: memref<128x128xf32, #tpu.memory_space<vmem>>, %arg3: memref<1024x128xf32, #tpu.memory_space<vmem>>) attributes {dimension_semantics = [#tpu.dimension_semantics<arbitrary>], iteration_bounds = array<i64: 10>, scalar_prefetch = 0 : i64, scratch_operands = 0 : i64, tpu.core_type = #tpu.core_type<tc>, window_params = [{transform_indices = @transform_0, window_bounds = array<i64: 1024, 128>}, {pipeline_mode = #tpu.pipeline_mode<synchronous>, transform_indices = @transform_1, window_bounds = array<i64: 128, 128>}, {transform_indices = @transform_2, window_bounds = array<i64: 1024, 128>}]} {
    %get3A = arith.constant 0 : index
    %get3A_0 = arith.constant 0 : index
    %get3A_1 = vector.load %arg1[%get3A, %get3A_0] : memref<1024x128xf32, #tpu.memory_space<vmem>>, vector<1024x128xf32>
    %get3A_2 = arith.constant 0 : index
    %get3A_3 = arith.constant 0 : index
    %get3A_4 = vector.load %arg2[%get3A_2, %get3A_3] : memref<128x128xf32, #tpu.memory_space<vmem>>, vector<128x128xf32>
    %dot_general3A = arith.constant dense<0.000000e+00> : vector<1024x128xf32>
    %dot_general3A_5 = tpu.matmul %get3A_1, %get3A_4, %dot_general3A {dimension_numbers = #tpu.dot_dimension_numbers<[1], [0], [0], [1], [0, 0, 1, 1], [], []>, transpose_lhs_hint = false} : vector<1024x128xf32>, vector<128x128xf32>, vector<1024x128xf32> -> vector<1024x128xf32>
    %swap3A = arith.constant 0 : index
    %swap3A_6 = arith.constant 0 : index
    %swap3A_7 = vector.load %arg3[%swap3A, %swap3A_6] : memref<1024x128xf32, #tpu.memory_space<vmem>>, vector<1024x128xf32>
    tpu.vector_store %arg3[%swap3A, %swap3A_6], %dot_general3A_5 {strides = array<i32>} : memref<1024x128xf32, #tpu.memory_space<vmem>>, vector<1024x128xf32>,
    return
  }
  func.func @transform_0(%arg0: i32) -> (i32, i32) {
    %c0_i32 = arith.constant 0 : i32
    %c0_i32_0 = arith.constant 0 : i32
    return %arg0, %c0_i32 : i32, i32
  }
  func.func @transform_1(%arg0: i32) -> (i32, i32) {
    %c0_i32 = arith.constant 0 : i32
    %c0_i32_0 = arith.constant 0 : i32
    %c0_i32_1 = arith.constant 0 : i32
    return %c0_i32, %c0_i32_0 : i32, i32
  }
  func.func @transform_2(%arg0: i32) -> (i32, i32) {
    %c0_i32 = arith.constant 0 : i32
    %c0_i32_0 = arith.constant 0 : i32
    return %arg0, %c0_i32 : i32, i32
  }
}

module attributes {stable_mosaic.version = 14 : i64} {
  func.func @_mlp_body(%arg0: i32, %arg1: memref<512x128xf32, #tpu.memory_space<vmem>>, %arg2: memref<512x8xf32, #tpu.memory_space<vmem>>, %arg3: memref<512x1xf32, #tpu.memory_space<vmem>>, %arg4: memref<8x128xf32, #tpu.memory_space<vmem>>, %arg5: memref<1x128xf32, #tpu.memory_space<vmem>>, %arg6: memref<128x128xf32, #tpu.memory_space<vmem>>, %arg7: memref<1x128xf32, #tpu.memory_space<vmem>>, %arg8: memref<128x256xf32, #tpu.memory_space<vmem>>, %arg9: memref<1x256xf32, #tpu.memory_space<vmem>>, %arg10: memref<8x256xf32, #tpu.memory_space<vmem>>) attributes {dimension_semantics = [#tpu.dimension_semantics<arbitrary>], iteration_bounds = array<i64: 625>, scalar_prefetch = 0 : i64, scratch_operands = 0 : i64, tpu.core_type = #tpu.core_type<tc>, window_params = [{transform_indices = @transform_0, window_bounds = array<i64: 512, 128>}, {transform_indices = @transform_1, window_bounds = array<i64: 512, 8>}, {transform_indices = @transform_2, window_bounds = array<i64: 512, 1>}, {pipeline_mode = #tpu.pipeline_mode<synchronous>, transform_indices = @transform_3, window_bounds = array<i64: 8, 128>}, {pipeline_mode = #tpu.pipeline_mode<synchronous>, transform_indices = @transform_4, window_bounds = array<i64: 1, 128>}, {pipeline_mode = #tpu.pipeline_mode<synchronous>, transform_indices = @transform_5, window_bounds = array<i64: 128, 128>}, {pipeline_mode = #tpu.pipeline_mode<synchronous>, transform_indices = @transform_6, window_bounds = array<i64: 1, 128>}, {pipeline_mode = #tpu.pipeline_mode<synchronous>, transform_indices = @transform_7, window_bounds = array<i64: 128, 256>}, {pipeline_mode = #tpu.pipeline_mode<synchronous>, transform_indices = @transform_8, window_bounds = array<i64: 1, 256>}, {transform_indices = @transform_9, window_bounds = array<i64: 8, 256>}]} {
    %get3A = arith.constant 0 : index
    %get3A_0 = arith.constant 0 : index
    %get3A_1 = vector.load %arg1[%get3A, %get3A_0] : memref<512x128xf32, #tpu.memory_space<vmem>>, vector<512x128xf32>
    %get3A_2 = arith.constant 0 : index
    %get3A_3 = arith.constant 0 : index
    %get3A_4 = vector.load %arg2[%get3A_2, %get3A_3] : memref<512x8xf32, #tpu.memory_space<vmem>>, vector<512x8xf32>
    %get3A_5 = arith.constant 0 : index
    %get3A_6 = arith.constant 0 : index
    %get3A_7 = vector.load %arg4[%get3A_5, %get3A_6] : memref<8x128xf32, #tpu.memory_space<vmem>>, vector<8x128xf32>
    %dot_general3A = arith.constant dense<0.000000e+00> : vector<512x128xf32>
    %dot_general3A_8 = tpu.matmul %get3A_4, %get3A_7, %dot_general3A {dimension_numbers = #tpu.dot_dimension_numbers<[1], [0], [0], [1], [0, 0, 1, 1], [], []>, transpose_lhs_hint = false} : vector<512x8xf32>, vector<8x128xf32>, vector<512x128xf32> -> vector<512x128xf32>
    %add3A = arith.addf %get3A_1, %dot_general3A_8 : vector<512x128xf32>
    %get3A_9 = arith.constant 0 : index
    %get3A_10 = arith.constant 0 : index
    %get3A_11 = vector.load %arg5[%get3A_9, %get3A_10] : memref<1x128xf32, #tpu.memory_space<vmem>>, vector<1x128xf32>
    %add3A_12 = vector.broadcast %get3A_11 : vector<1x128xf32> to vector<512x128xf32>
    %add3A_13 = arith.addf %add3A, %add3A_12 : vector<512x128xf32>
    %max3A = arith.constant 0.000000e+00 : f32
    %max3A_14 = vector.broadcast %max3A : f32 to vector<512x128xf32>
    %max3A_15 = arith.maximumf %add3A_13, %max3A_14 : vector<512x128xf32>
    %get3A_16 = arith.constant 0 : index
    %get3A_17 = arith.constant 0 : index
    %get3A_18 = vector.load %arg6[%get3A_16, %get3A_17] : memref<128x128xf32, #tpu.memory_space<vmem>>, vector<128x128xf32>
    %dot_general3A_19 = arith.constant dense<0.000000e+00> : vector<512x128xf32>
    %dot_general3A_20 = tpu.matmul %max3A_15, %get3A_18, %dot_general3A_19 {dimension_numbers = #tpu.dot_dimension_numbers<[1], [0], [0], [1], [0, 0, 1, 1], [], []>, transpose_lhs_hint = false} : vector<512x128xf32>, vector<128x128xf32>, vector<512x128xf32> -> vector<512x128xf32>
    %get3A_21 = arith.constant 0 : index
    %get3A_22 = arith.constant 0 : index
    %get3A_23 = vector.load %arg7[%get3A_21, %get3A_22] : memref<1x128xf32, #tpu.memory_space<vmem>>, vector<1x128xf32>
    %add3A_24 = vector.broadcast %get3A_23 : vector<1x128xf32> to vector<512x128xf32>
    %add3A_25 = arith.addf %dot_general3A_20, %add3A_24 : vector<512x128xf32>
    %max3A_26 = arith.constant 0.000000e+00 : f32
    %max3A_27 = vector.broadcast %max3A_26 : f32 to vector<512x128xf32>
    %max3A_28 = arith.maximumf %add3A_25, %max3A_27 : vector<512x128xf32>
    %get3A_29 = arith.constant 0 : index
    %get3A_30 = arith.constant 0 : index
    %get3A_31 = vector.load %arg8[%get3A_29, %get3A_30] : memref<128x256xf32, #tpu.memory_space<vmem>>, vector<128x256xf32>
    %dot_general3A_32 = arith.constant dense<0.000000e+00> : vector<512x256xf32>
    %dot_general3A_33 = tpu.matmul %max3A_28, %get3A_31, %dot_general3A_32 {dimension_numbers = #tpu.dot_dimension_numbers<[1], [0], [0], [1], [0, 0, 1, 1], [], []>, transpose_lhs_hint = false} : vector<512x128xf32>, vector<128x256xf32>, vector<512x256xf32> -> vector<512x256xf32>
    %get3A_34 = arith.constant 0 : index
    %get3A_35 = arith.constant 0 : index
    %get3A_36 = vector.load %arg9[%get3A_34, %get3A_35] : memref<1x256xf32, #tpu.memory_space<vmem>>, vector<1x256xf32>
    %add3A_37 = vector.broadcast %get3A_36 : vector<1x256xf32> to vector<512x256xf32>
    %add3A_38 = arith.addf %dot_general3A_33, %add3A_37 : vector<512x256xf32>
    %get3A_39 = arith.constant 0 : index
    %get3A_40 = arith.constant 0 : index
    %get3A_41 = vector.load %arg3[%get3A_39, %get3A_40] : memref<512x1xf32, #tpu.memory_space<vmem>>, vector<512x1xf32>
    %gt3A = arith.constant 0.000000e+00 : f32
    %gt3A_42 = vector.broadcast %gt3A : f32 to vector<512x1xf32>
    %gt3A_43 = arith.cmpf ogt, %get3A_41, %gt3A_42 : vector<512x1xf32>
    %jit3A = arith.constant 0xFF800000 : f32
    %broadcast_in_dim3A = vector.shape_cast %gt3A_43 : vector<512x1xi1> to vector<512x1xi1>
    %broadcast_in_dim3A_44 = vector.broadcast %broadcast_in_dim3A : vector<512x1xi1> to vector<512x256xi1>
    %broadcast_in_dim3A_45 = vector.broadcast %jit3A : f32 to vector<512x256xf32>
    %select_n3A = arith.select %broadcast_in_dim3A_44, %add3A_38, %broadcast_in_dim3A_45 : vector<512x256xi1>, vector<512x256xf32>
    %reshape3A = vector.shape_cast %select_n3A : vector<512x256xf32> to vector<8x64x256xf32>
    %slice3A = vector.extract_strided_slice %reshape3A {offsets = [0, 0, 0], sizes = [8, 32, 256], strides = [1, 1, 1]} : vector<8x64x256xf32> to vector<8x32x256xf32>
    %slice3A_46 = vector.extract_strided_slice %reshape3A {offsets = [0, 32, 0], sizes = [8, 32, 256], strides = [1, 1, 1]} : vector<8x64x256xf32> to vector<8x32x256xf32>
    %max3A_47 = arith.maximumf %slice3A, %slice3A_46 : vector<8x32x256xf32>
    %slice3A_48 = vector.extract_strided_slice %max3A_47 {offsets = [0, 0, 0], sizes = [8, 16, 256], strides = [1, 1, 1]} : vector<8x32x256xf32> to vector<8x16x256xf32>
    %slice3A_49 = vector.extract_strided_slice %max3A_47 {offsets = [0, 16, 0], sizes = [8, 16, 256], strides = [1, 1, 1]} : vector<8x32x256xf32> to vector<8x16x256xf32>
    %max3A_50 = arith.maximumf %slice3A_48, %slice3A_49 : vector<8x16x256xf32>
    %slice3A_51 = vector.extract_strided_slice %max3A_50 {offsets = [0, 0, 0], sizes = [8, 8, 256], strides = [1, 1, 1]} : vector<8x16x256xf32> to vector<8x8x256xf32>
    %slice3A_52 = vector.extract_strided_slice %max3A_50 {offsets = [0, 8, 0], sizes = [8, 8, 256], strides = [1, 1, 1]} : vector<8x16x256xf32> to vector<8x8x256xf32>
    %max3A_53 = arith.maximumf %slice3A_51, %slice3A_52 : vector<8x8x256xf32>
    %slice3A_54 = vector.extract_strided_slice %max3A_53 {offsets = [0, 0, 0], sizes = [8, 4, 256], strides = [1, 1, 1]} : vector<8x8x256xf32> to vector<8x4x256xf32>
    %slice3A_55 = vector.extract_strided_slice %max3A_53 {offsets = [0, 4, 0], sizes = [8, 4, 256], strides = [1, 1, 1]} : vector<8x8x256xf32> to vector<8x4x256xf32>
    %max3A_56 = arith.maximumf %slice3A_54, %slice3A_55 : vector<8x4x256xf32>
    %slice3A_57 = vector.extract_strided_slice %max3A_56 {offsets = [0, 0, 0], sizes = [8, 2, 256], strides = [1, 1, 1]} : vector<8x4x256xf32> to vector<8x2x256xf32>
    %slice3A_58 = vector.extract_strided_slice %max3A_56 {offsets = [0, 2, 0], sizes = [8, 2, 256], strides = [1, 1, 1]} : vector<8x4x256xf32> to vector<8x2x256xf32>
    %max3A_59 = arith.maximumf %slice3A_57, %slice3A_58 : vector<8x2x256xf32>
    %slice3A_60 = vector.extract_strided_slice %max3A_59 {offsets = [0, 0, 0], sizes = [8, 1, 256], strides = [1, 1, 1]} : vector<8x2x256xf32> to vector<8x1x256xf32>
    %slice3A_61 = vector.extract_strided_slice %max3A_59 {offsets = [0, 1, 0], sizes = [8, 1, 256], strides = [1, 1, 1]} : vector<8x2x256xf32> to vector<8x1x256xf32>
    %max3A_62 = arith.maximumf %slice3A_60, %slice3A_61 : vector<8x1x256xf32>
    %squeeze3A = vector.shape_cast %max3A_62 : vector<8x1x256xf32> to vector<8x256xf32>
    %swap3A = arith.constant 0 : index
    %swap3A_63 = arith.constant 0 : index
    %swap3A_64 = vector.load %arg10[%swap3A, %swap3A_63] : memref<8x256xf32, #tpu.memory_space<vmem>>, vector<8x256xf32>
    tpu.vector_store %arg10[%swap3A, %swap3A_63], %squeeze3A {strides = array<i32>} : memref<8x256xf32, #tpu.memory_space<vmem>>, vector<8x256xf32>,
    return
  }
  func.func @transform_0(%arg0: i32) -> (i32, i32) {
    %c0_i32 = arith.constant 0 : i32
    %c0_i32_0 = arith.constant 0 : i32
    return %arg0, %c0_i32 : i32, i32
  }
  func.func @transform_1(%arg0: i32) -> (i32, i32) {
    %c0_i32 = arith.constant 0 : i32
    %c0_i32_0 = arith.constant 0 : i32
    return %arg0, %c0_i32 : i32, i32
  }
  func.func @transform_2(%arg0: i32) -> (i32, i32) {
    %c0_i32 = arith.constant 0 : i32
    %c0_i32_0 = arith.constant 0 : i32
    return %arg0, %c0_i32 : i32, i32
  }
  func.func @transform_3(%arg0: i32) -> (i32, i32) {
    %c0_i32 = arith.constant 0 : i32
    %c0_i32_0 = arith.constant 0 : i32
    %c0_i32_1 = arith.constant 0 : i32
    return %c0_i32, %c0_i32_0 : i32, i32
  }
  func.func @transform_4(%arg0: i32) -> (i32, i32) {
    %c0_i32 = arith.constant 0 : i32
    %c0_i32_0 = arith.constant 0 : i32
    %c0_i32_1 = arith.constant 0 : i32
    return %c0_i32, %c0_i32_0 : i32, i32
  }
  func.func @transform_5(%arg0: i32) -> (i32, i32) {
    %c0_i32 = arith.constant 0 : i32
    %c0_i32_0 = arith.constant 0 : i32
    %c0_i32_1 = arith.constant 0 : i32
    return %c0_i32, %c0_i32_0 : i32, i32
  }
  func.func @transform_6(%arg0: i32) -> (i32, i32) {
    %c0_i32 = arith.constant 0 : i32
    %c0_i32_0 = arith.constant 0 : i32
    %c0_i32_1 = arith.constant 0 : i32
    return %c0_i32, %c0_i32_0 : i32, i32
  }
  func.func @transform_7(%arg0: i32) -> (i32, i32) {
    %c0_i32 = arith.constant 0 : i32
    %c0_i32_0 = arith.constant 0 : i32
    %c0_i32_1 = arith.constant 0 : i32
    return %c0_i32, %c0_i32_0 : i32, i32
  }
  func.func @transform_8(%arg0: i32) -> (i32, i32) {
    %c0_i32 = arith.constant 0 : i32
    %c0_i32_0 = arith.constant 0 : i32
    %c0_i32_1 = arith.constant 0 : i32
    return %c0_i32, %c0_i32_0 : i32, i32
  }
  func.func @transform_9(%arg0: i32) -> (i32, i32) {
    %c0_i32 = arith.constant 0 : i32
    %c0_i32_0 = arith.constant 0 : i32
    return %arg0, %c0_i32 : i32, i32
  }
}

</mosaic_0001>

<sc_bundles>
// kernel: gather_offload_async_start
scs
__scs_entry_jumppad:
0x0: {  	(pc) =	sbr.rel $0x88, $3  }
0x1: {  	(tag) =	ssettag $0x0;
	lr =	simm.s32 $0x1  }
0x2: {  	[smem:$0x3F98] =	sst lr;
	_ =	strace $0xD0000000  }
0x3: {  	_ = 	snop  }
0x4: {  	_ = 	snop  }
0x5: {  	_ = 	snop  }
0x6: {  	_ = 	snop  }
0x7: {  	_ = 	snop  }
__scs_overlays_trampoline_lowered:
0x8: {  	[smem:$0x3FA7] =	sst s0  }
0x9: {  	[smem:$0x3FA8] =	sst s1  }
0xa: {  	[smem:$0x3FA9] =	sst s2  }
0xb: {  	[smem:$0x3FAA] =	sst s3  }
0xc: {  	[smem:$0x3FAB] =	sst s4  }
0xd: {  	[smem:$0x3FAC] =	sst s5  }
0xe: {  	[smem:$0x3FAD] =	sst s6  }
0xf: {  	[smem:$0x3FAE] =	sst s7  }
0x10: {  	[smem:$0x3FAF] =	sst s8  }
0x11: {  	[smem:$0x3FB0] =	sst s9;
	s0 =	simm.s32 @!p0 $0x0  }
0x12: {  	s1 =	sld [smem:$0x3F96];
	s0 =	simm.s32 @p0 $0x1  }
0x13: {  	[smem:$0x3FB1] =	sst s0;
	s0 =	simm.s32 @!p1 $0x0  }
0x14: {  	s2 =	sld [smem:$0x3F95];
	s0 =	simm.s32 @p1 $0x1  }
0x15: {  	[smem:$0x3FB2] =	sst s0;
	s0 =	simm.s32 @!p2 $0x0  }
0x16: {  	s3 =	sld [smem:$0x3FDB];
	s0 =	simm.s32 @p2 $0x1  }
0x17: {  	s4 =	simm.s32 $0x1BF5;
	[smem:$0x3FB4] =	sst s0  }
0x18: {  	s0 =	sld [smem:$0x3F97];
	_ =	swait.ge [sflag:s4], $0x0  }
0x19: {  	s7 =	sld [smem:$0x3F98]  }
0x1a: {  	s8 =	sadd.s32 $0xFFFFE003, lr  }
0x1b: {  	s9 =	sadd.s32 $0xFFFFFEF7, lr;
	s5 =	simm.s32 $0xFFFFFFFF;
	p2 =	slt.u32 s8, $0xFFFFF086  }
0x1c: {  	p1 =	slt.u32 s9, $0xF7A;
	s5 =	simm.s32 @!p2 $0x0  }
0x1d: {  	s5 =	simm.s32 @p1 $0x1;
	p0 =	seq.s32 s7, s2  }
0x1e: {  	s7 =	smul.u32 @!p0 $0xF7A, s2;
	p2 =	seq.s32 @!p0 s5, $0x0  }
0x1f: {  	s9 =	smul.u32 $0xF7A, s1;
	s8 =	simm.s32 @!p0 $0x1BF5;
	p2 =	por !p2, p0  }
0x20: {  	[sflag:s8] =	ssyncset.s32 @!p0 $0xFFFFF086;
	s6 =	sadd.s32 @!p0 s3, s7;
	s7 =	simm.s32 @!p0 $0x108  }
0x21: {  	s3 =	sadd.s32 s3, s9;
	s6 =	sadd.s32 @!p0 $0x88, s6;
	s7 =	simm.s32 @p2 $0x1082  }
0x22: {  	[simem:s7], [sflag:s8] =	dma.local @!p0 [hbm:s6], $0xF7A  }
0x23: {  	s9 =	sor.u32 $0xD0000000, s2;
	s6 =	simm.s32 $0x108;
	_ =	swait.ge @!p0 [sflag:s8], $0x0  }
0x24: {  	s3 =	sadd.s32 $0x88, s3;
	s6 =	simm.s32 @!p1 $0x1082;
	[sflag:s4] =	ssyncset.s32 $0xFFFFF086  }
0x25: {  	[simem:s6], [sflag:s4] =	dma.local [hbm:s3], $0xF7A  }
0x26: {  	[smem:$0x3F98] =	sst s1;
	(tag) =	ssettag s2;
	_ =	strace s9  }
0x27: {  	s1 =	sld [smem:$0x3FA8]  }
0x28: {  	s2 =	sld [smem:$0x3FA9]  }
0x29: {  	s4 =	sld [smem:$0x3FAB]  }
0x2a: {  	p0 =	seq.s32 s5, $0x0;
	s5 =	sld [smem:$0x3FAC]  }
0x2b: {  	s6 =	sld [smem:$0x3FAD]  }
0x2c: {  	s7 =	sld [smem:$0x3FAE]  }
0x2d: {  	s3 =	simm.s32 $0x108;
	s8 =	sld [smem:$0x3FAF]  }
0x2e: {  	s3 =	simm.s32 @!p0 $0x1082;
	s9 =	sld [smem:$0x3FB0]  }
0x2f: {  	lr =	sadd.s32 s0, s3;
	s0 =	sld [smem:$0x3FA7]  }
0x30: {  	s3 =	sld [smem:$0x3FAA]  }
0x31: {  	[smem:$0x3FB3] =	sst s10  }
0x32: {  	s10 =	sld [smem:$0x3FB1];
	_ =	sdelay $0x3  }
0x33: {  	p0 =	seq.s32 s10, $0x1;
	s10 =	sld [smem:$0x3FB3];
	_ =	sdelay $0x3  }
0x34: {  	[smem:$0x3FB3] =	sst s10  }
0x35: {  	s10 =	sld [smem:$0x3FB2];
	_ =	sdelay $0x3  }
0x36: {  	p1 =	seq.s32 s10, $0x1;
	s10 =	sld [smem:$0x3FB3];
	_ =	sdelay $0x3  }
0x37: {  	[smem:$0x3FB3] =	sst s10  }
0x38: {  	s10 =	sld [smem:$0x3FB4]  }
0x39: {  	_ = 	snop;
	(pc) =	sbr.ind lr, $3  }
0x3a: {  	_ = 	snop  }
0x3b: {  	_ = 	snop  }
0x3c: {  	p2 =	seq.s32 s10, $0x1;
	s10 =	sld [smem:$0x3FB3]  }
0x3d: {  	_ =	shalt  }
0x3e: {  	_ =	shalt  }
0x3f: {  	_ =	shalt  }
0x40: {  	_ =	shalt  }
0x41: {  	_ =	shalt  }
0x42: {  	_ =	shalt  }
0x43: {  	_ =	shalt  }
0x44: {  	_ =	shalt  }
0x45: {  	_ =	shalt  }
0x46: {  	_ =	shalt  }
0x47: {  	_ =	shalt  }
0x48: {  	_ =	shalt  }
0x49: {  	_ =	shalt  }
0x4a: {  	_ =	shalt  }
0x4b: {  	_ =	shalt  }
0x4c: {  	_ =	shalt  }
0x4d: {  	_ =	shalt  }
0x4e: {  	_ =	shalt  }
0x4f: {  	_ =	shalt  }
0x50: {  	_ =	shalt  }
0x51: {  	_ =	shalt  }
0x52: {  	_ =	shalt  }
0x53: {  	_ =	shalt  }
0x54: {  	_ =	shalt  }
0x55: {  	_ =	shalt  }
0x56: {  	_ =	shalt  }
0x57: {  	_ =	shalt  }
0x58: {  	_ =	shalt  }
0x59: {  	_ =	shalt  }
0x5a: {  	_ =	shalt  }
0x5b: {  	_ =	shalt  }
0x5c: {  	_ =	shalt  }
0x5d: {  	_ =	shalt  }
0x5e: {  	_ =	shalt  }
0x5f: {  	_ =	shalt  }
0x60: {  	_ =	shalt  }
0x61: {  	_ =	shalt  }
0x62: {  	_ =	shalt  }
0x63: {  	_ =	shalt  }
0x64: {  	_ =	shalt  }
0x65: {  	_ =	shalt  }
0x66: {  	_ =	shalt  }
0x67: {  	_ =	shalt  }
0x68: {  	_ =	shalt  }
0x69: {  	_ =	shalt  }
0x6a: {  	_ =	shalt  }
0x6b: {  	_ =	shalt  }
0x6c: {  	_ =	shalt  }
0x6d: {  	_ =	shalt  }
0x6e: {  	_ =	shalt  }
0x6f: {  	_ =	shalt  }
0x70: {  	_ =	shalt  }
0x71: {  	_ =	shalt  }
0x72: {  	_ =	shalt  }
0x73: {  	_ =	shalt  }
0x74: {  	_ =	shalt  }
0x75: {  	_ =	shalt  }
0x76: {  	_ =	shalt  }
0x77: {  	_ =	shalt  }
0x78: {  	_ =	shalt  }
0x79: {  	_ =	shalt  }
0x7a: {  	_ =	shalt  }
0x7b: {  	_ =	shalt  }
0x7c: {  	_ =	shalt  }
0x7d: {  	_ =	shalt  }
0x7e: {  	_ =	shalt  }
0x7f: {  	_ =	shalt  }
0x80: {  	_ =	shalt  }
0x81: {  	_ =	shalt  }
0x82: {  	_ =	shalt  }
0x83: {  	_ =	shalt  }
0x84: {  	_ =	shalt  }
0x85: {  	_ =	shalt  }
0x86: {  	_ =	shalt  }
0x87: {  	_ =	shalt  }
.Lfunc_end0:
.L_simem_size_0:
called_computation_lowered:
.L_overlay_start_0:
0x88: {  	s0 =	sld [smem:$0x3FD9]  }
0x89: {  	s1 =	sld [smem:$0x3FFE];
	_ =	sdelay $0x3  }
0x8a: {  	s0 =	sadd.s32 s1, s0  }
0x8b: {  	[smem:$0x3FBF] =	sst s0  }
0x8c: {  	_ = 	snop  }
0x8d: {  	s0 =	sld [smem:$0x3FC7];
	(tm) =	ssettm $0x1  }
0x8e: {  	s16 =	sld [smem:$0x3FFB];
	_ =	sdelay $0x3  }
0x8f: {  	_ =	strace s16  }
0x90: {  	s1 =	sld [smem:$0x3FFC];
	_ =	sdelay $0x3  }
0x91: {  	_ =	strace s1  }
0x92: {  	s1 =	sld [smem:$0x3FFD];
	_ =	sdelay $0x3  }
0x93: {  	_ =	strace s1  }
0x94: {  	_ =	strace $0x8FFFFFFF  }
0x95: {  	s17 =	sld [smem:$0x3FDB];
	_ =	sdelay $0x1  }
0x96: {  	s2 =	simm.s32 $_scs_section_size  }
0x97: {  	s3 =	simm.s32 $_size__tile_overlayer_lowered;
	s4 =	simm.s32 $_tile_overlayer_lowered  }
0x98: {  	s20 =	simm.s32 $0x1BFF;
	s19 =	sshll.u32 s4, $0x1;
	s1 =	sadd.s32 s2, s17  }
0x99: {  	s5 =	simm.s32 $0x0;
	s18 =	sshll.u32 s3, $0x1;
	s3 =	sadd.s32 s19, s1  }
0x9a: {  	[timem:s5], [sflag:s20] =	dma.local [hbm:s3], s18  }
0x9b: {  	_ =	swait.ge [sflag:s20], s18  }
0x9c: {  	s2 =	ssub.s32 $0x0, s18;
	[sflag:s20] =	ssyncset.done $0x0  }
0x9d: {  	[sflag:s20] =	ssyncadd.s32 s2;
	_ =	sdelay $0x1  }
0x9e: {  	s21 =	simm.s32 $0x1B8B  }
0x9f: {  	_ =	swait.ge [sflag:s21], $0x1  }
0xa0: {  	[sflag:s21] =	ssyncset.done $0x0  }
0xa1: {  	s23 =	simm.s32 $0x1B8E;
	s22 =	sld [smem:$0x3FFE];
	[sflag:s21] =	ssyncadd.s32 $0xFFFFFFFF  }
0xa2: {  	s24 =	simm.s32 $execute0_lowered;
	[smem:$0x3FD2] =	sst s23  }
0xa3: {  	s3 =	sshll.u32 s24, $0x1;
	_ =	strace $0x80000046;
	[dreg:$0x1] =	wrdreg $0xFFFFFFFF  }
0xa4: {  	s25 =	simm.s32 $_size_execute0_lowered;
	s1 =	sadd.s32 s1, s3;
	[dreg:$0x0] =	wrdreg $0x0  }
0xa5: {  	s3 =	sshll.u32 s25, $0x1;
	[dreg:$0x2] =	wrdreg s1  }
0xa6: {  	[dreg:$0x3] =	wrdreg s3  }
0xa7: {  	[dreg:$0x4] =	wrdreg $0xC0  }
0xa8: {  	_ =	task [dreg:s5], $0x5FFFF  }
0xa9: {  	[dreg:$0x1] =	wrdreg $0xFFFFFFFF  }
0xaa: {  	[dreg:$0x0] =	wrdreg $0x60  }
0xab: {  	[dreg:$0x2] =	wrdreg s0  }
0xac: {  	[dreg:$0x3] =	wrdreg s22  }
0xad: {  	[dreg:$0x4] =	wrdreg $0x9  }
0xae: {  	_ =	task.clear_ibuf [dreg:s5], $0x5FFFF;
	_ =	strace $0x90000046  }
0xaf: {  	s26 =	simm.s32 $0x9;
	_ =	strace $0x80000048  }
0xb0: {  	_ =	swait.ge [sflag:s26], $0x1  }
0xb1: {  	[sflag:s26] =	ssyncadd.s32 $0xFFFFFFFF  }
0xb2: {  	_ =	strace $0x90000048  }
0xb3: {  	_ =	sfence  }
0xb4: {  	s28 =	sld [smem:$0x0];
	_ =	sdelay $0x1  }
0xb5: {  	s29 =	srdreg.scid  }
0xb6: {  	s30 =	sshll.u32 s29, $0xD;
	s31 =	sshrl.u32 s29, $0x2  }
0xb7: {  	s2 =	sand.u32 $0x4000, s30;
	s1 =	sand.u32 $0x1, s29;
	s0 =	sadd.s32 s31, s28  }
0xb8: {  	s1 =	sor.u32 s2, s1;
	s0 =	sshll.u32 s0, $0x11  }
0xb9: {  	s0 =	sor.u32 s0, s1  }
0xba: {  	s0 =	sadd.s32 $0x8F2B, s0  }
0xbb: {  	[sflag:s0] =	ssyncadd.remote.s32 $0x1  }
0xbc: {  	_ =	sfence.sel $0xFFFF  }
0xbd: {  	[dreg:$0x0] =	wrdreg $0xFFFFFFFF;
	(pc) =	sbr.abs _section_cstart, $3  }
0xbe: {  	[dreg:$0x1] =	wrdreg $0xFFFFFFFF  }
0xbf: {  	_ =	task.clear_ibuf [dreg:s5], $0x2FFFF;
	_ =	strace $0x9FFFFFFF  }
0xc0: {  	(tm) =	ssettm $0x7FFFFFFF  }
0xc1: {  	_ =	shalt  }
tec
execute0_lowered:
.L_overlay_start_1:
0x0: {  	(tag) =	ssettag $0x1  }
0x1: {  	s2 =	rddreg [dreg:$0x0]  }
0x2: {  	s5 =	rddreg [dreg:$0x1]  }
0x3: {  	s0 =	rddreg [dreg:$0x2];
	s1 =	stileid.u32;
	_ =	strace $0x80000047  }
0x4: {  	s6 =	simm.s32 $0x1;
	s8 =	simm.s32 $0x2;
	s30 =	simm.s32 $0x3  }
0x5: {  	s12 =	simm.s32 $0x0;
	s9 =	simm.s32 $0x0;
	s4 =	sshll.u32 s1, $0x4  }
0x6: {  	s10 =	simm.s32 $0x0;
	s3 =	sadd.s32 $0x609400, s5;
	s7 =	ssub.s32 $0x1380, s4  }
0x7: {  	s5 =	sadd.s32 $0x609800, s5;
	[sflag:s6] =	ssyncpa.u1 $0x0;
	s6 =	sshrl.u32 s7, $0x8  }
0x8: {  	[sflag:s8] =	ssyncpa.u1 $0x0;
	s11 =	smov.u32 s4;
	s31 =	sshll.u32 s6, $0x4  }
0x9: {  	[sflag:s30] =	ssyncpa.u1 $0x0;
	s7 =	sadd.s32 $0x2, s6;
	s8 =	sadd.s32 $0x30, s31  }
.LBB2_1:
0xa: {  	p0 =	sgt.u32 s10, s6  }
0xb: {  	s13 =	sxor.u32 @!p0 $0xFFFFFFFF, s9;
	s14 =	sshrl.u32 @!p0 s11, $0x3  }
0xc: {  	s15 =	sand.u32 @!p0 $0x7, s11;
	s13 =	sand.u32 @!p0 $0x10, s13;
	s14 =	sadd.s32 @!p0 s3, s14  }
0xd: {  	[tilespmem:s13], [sflag:$0x2] =	stream.linear.gather @!p0 [hbm4b:s14+s15], $0x10, $0x38;
	[tilespmem:$0x40] =	vst v63  }
0xe: {  	p0 =	seq.s32 s9, $0x0  }
0xf: {  	p1 =	sge.u32 @!p0 s10, s7  }
0x10: {  	p0 =	por p1, p0  }
0x11: {  	s13 =	simm.s32 @!p0 $0x2  }
0x12: {  	_ =	swait.ge @!p0 [sflag:s13], $0x10  }
0x13: {  	[sflag:s13] =	ssyncset.done @!p0 $0x0  }
0x14: {  	[sflag:s13] =	ssyncadd.s32 @!p0 $0xFFFFFFF0;
	s13 =	sand.u32 @!p0 $0x10, s9  }
0x15: {  	(ifvalue) =	ssetifvalue @!p0 $0x7FFFFFFF;
	v0 =	vld.msk @!p0 [tilespmem:s13+$0x0 ss:$0x1], $0xffff;
	_ =	sdelay $0x4  }
0x16: {  	vm0 =	vgt.s32 @!p0 v0, $0x0  }
0x17: {  	v0 =	vnsel @!p0 vm0, $0x0, v0  }
0x18: {  	v0 =	vmin.u32 @!p0 v0, $0x270F;
	_ =	sdelay $0x3  }
0x19: {  	s14 =	simm.s32 @!p0 $0x0;
	s13 =	sor.u32 @!p0 $0x20, s13;
	(ifvalue) =	ssetifvalue @!p0 $0x7FFFFFFF;
	vm0 =	vmmov @!p0 $0xffff  }
0x1a: {  	[tilespmem:s13], [sflag:$0x1] =	stream.indirect_vreg.gather @!p0 [hbm4b:s2+s14], $0x1, v0, vm0, $0x4038;
	[tilespmem:$0x40] =	vst v63  }
0x1b: {  	s14 =	simm.s32 @!p0 $0x1  }
0x1c: {  	_ =	swait.ge @!p0 [sflag:s14], $0x10  }
0x1d: {  	s15 =	sshrl.u32 @!p0 s12, $0x3;
	[sflag:s14] =	ssyncset.done @!p0 $0x0  }
0x1e: {  	s12 =	sand.u32 @!p0 $0x7, s12;
	[sflag:s14] =	ssyncadd.s32 @!p0 $0xFFFFFFF0;
	s14 =	sadd.s32 @!p0 s5, s15  }
0x1f: {  	[hbm4b:s14+s12] =	stream.linear.scatter @!p0 [tilespmem:s13], [sflag:$0x3], $0x10, $0x38;
	[tilespmem:$0x40] =	vst v63  }
0x20: {  	s14 =	sadd.s32 $0x100, s11  }
0x21: {  	s9 =	sadd.s32 $0x10, s9;
	p1 =	sgt.s32 s14, $0x1387  }
0x22: {  	s14 =	smov.u32 @p1 s4;
	p1 =	sne.s32 s8, s9  }
.Ltmp0:
0x23: {  	p0 =	slt.u32 s10, $0x2;
	(pc) =	sbr.rel @p1 .LBB2_1-.Ltmp0, $4  }
0x24: {  	s13 =	simm.s32 @!p0 $0x3  }
0x25: {  	_ =	swait.ge @!p0 [sflag:s13], $0x10  }
0x26: {  	s12 =	smov.u32 s11;
	[sflag:s13] =	ssyncset.done @!p0 $0x0  }
0x27: {  	s10 =	sadd.s32 $0x1, s10;
	s11 =	smov.u32 s14;
	[sflag:s13] =	ssyncadd.s32 @!p0 $0xFFFFFFF0  }
0x28: {  	_ =	sfence.sel $0x180000  }
0x29: {  	s2 =	simm.s32 $0x2;
	[bflag:$0x0] =	sbarrier.arrive $0xFFFF  }
0x2a: {  	s30 =	simm.s32 $0x3;
	[sflag:s2] =	ssyncpa.u1 $0x1  }
0x2b: {  	s31 =	simm.s32 $0x1;
	[sflag:s30] =	ssyncpa.u1 $0x1  }
0x2c: {  	[sflag:s31] =	ssyncpa.u1 $0x1  }
0x2d: {  	p0 =	sne.s32 s1, $0x0;
	_ =	strace $0x90000047  }
0x2e: {  	s0 =	sadd.s32 @!p0 $0x100000, s0;
	[bflag:$0x2] =	sbarrier.arrive $0xFFFF  }
0x2f: {  	[sflag:s0] =	ssyncadd.tile.s32 @!p0 $0x1;
	_ =	shalt  }
.Lfunc_end2:
_tile_overlayer_lowered:
.L_overlay_start_2:
0x30: {  	(tag) =	ssettag $0x2  }
0x31: {  	s0 =	rddreg [dreg:$0x0];
	s2 =	stileid.u32  }
0x32: {  	s1 =	rddreg [dreg:$0x1];
	p0 =	sne.s32 s2, $0x0  }
0x33: {  	s3 =	rddreg [dreg:$0x2];
	[bflag:$0x3] =	sbarrier.arrive $0xFFFF;
	s2 =	simm.s32 @!p0 $0x1C01  }
0x34: {  	[timem:s3], [sflag:s2] =	dma.local @!p0 [hbm:s0], s1  }
0x35: {  	s0 =	simm.s32 @!p0 $0x1  }
0x36: {  	_ =	swait.ge @!p0 [sflag:s0], s1  }
0x37: {  	s1 =	ssub.s32 @!p0 $0x0, s1;
	[sflag:s0] =	ssyncset.done @!p0 $0x0  }
0x38: {  	[sflag:s0] =	ssyncadd.s32 @!p0 s1  }
0x39: {  	[bflag:$0x3] =	sbarrier.arrive $0xFFFF  }
0x3a: {  	_ =	shalt  }

// kernel: kernel.7.cloned.1.call-start
scs
__scs_entry_jumppad:
0x0: {  	(pc) =	sbr.rel $0x88, $3  }
0x1: {  	(tag) =	ssettag $0x0;
	lr =	simm.s32 $0x1  }
0x2: {  	[smem:$0x3F98] =	sst lr;
	_ =	strace $0xD0000000  }
0x3: {  	_ = 	snop  }
0x4: {  	_ = 	snop  }
0x5: {  	_ = 	snop  }
0x6: {  	_ = 	snop  }
0x7: {  	_ = 	snop  }
__scs_overlays_trampoline_lowered:
0x8: {  	[smem:$0x3FA7] =	sst s0  }
0x9: {  	[smem:$0x3FA8] =	sst s1  }
0xa: {  	[smem:$0x3FA9] =	sst s2  }
0xb: {  	[smem:$0x3FAA] =	sst s3  }
0xc: {  	[smem:$0x3FAB] =	sst s4  }
0xd: {  	[smem:$0x3FAC] =	sst s5  }
0xe: {  	[smem:$0x3FAD] =	sst s6  }
0xf: {  	[smem:$0x3FAE] =	sst s7  }
0x10: {  	[smem:$0x3FAF] =	sst s8  }
0x11: {  	[smem:$0x3FB0] =	sst s9;
	s0 =	simm.s32 @!p0 $0x0  }
0x12: {  	s1 =	sld [smem:$0x3F96];
	s0 =	simm.s32 @p0 $0x1  }
0x13: {  	[smem:$0x3FB1] =	sst s0;
	s0 =	simm.s32 @!p1 $0x0  }
0x14: {  	s2 =	sld [smem:$0x3F95];
	s0 =	simm.s32 @p1 $0x1  }
0x15: {  	[smem:$0x3FB2] =	sst s0;
	s0 =	simm.s32 @!p2 $0x0  }
0x16: {  	s3 =	sld [smem:$0x3FDB];
	s0 =	simm.s32 @p2 $0x1  }
0x17: {  	s4 =	simm.s32 $0x1BF5;
	[smem:$0x3FB4] =	sst s0  }
0x18: {  	s0 =	sld [smem:$0x3F97];
	_ =	swait.ge [sflag:s4], $0x0  }
0x19: {  	s7 =	sld [smem:$0x3F98]  }
0x1a: {  	s8 =	sadd.s32 $0xFFFFE003, lr  }
0x1b: {  	s9 =	sadd.s32 $0xFFFFFEF7, lr;
	s5 =	simm.s32 $0xFFFFFFFF;
	p2 =	slt.u32 s8, $0xFFFFF086  }
0x1c: {  	p1 =	slt.u32 s9, $0xF7A;
	s5 =	simm.s32 @!p2 $0x0  }
0x1d: {  	s5 =	simm.s32 @p1 $0x1;
	p0 =	seq.s32 s7, s2  }
0x1e: {  	s7 =	smul.u32 @!p0 $0xF7A, s2;
	p2 =	seq.s32 @!p0 s5, $0x0  }
0x1f: {  	s9 =	smul.u32 $0xF7A, s1;
	s8 =	simm.s32 @!p0 $0x1BF5;
	p2 =	por !p2, p0  }
0x20: {  	[sflag:s8] =	ssyncset.s32 @!p0 $0xFFFFF086;
	s6 =	sadd.s32 @!p0 s3, s7;
	s7 =	simm.s32 @!p0 $0x108  }
0x21: {  	s3 =	sadd.s32 s3, s9;
	s6 =	sadd.s32 @!p0 $0x88, s6;
	s7 =	simm.s32 @p2 $0x1082  }
0x22: {  	[simem:s7], [sflag:s8] =	dma.local @!p0 [hbm:s6], $0xF7A  }
0x23: {  	s9 =	sor.u32 $0xD0000000, s2;
	s6 =	simm.s32 $0x108;
	_ =	swait.ge @!p0 [sflag:s8], $0x0  }
0x24: {  	s3 =	sadd.s32 $0x88, s3;
	s6 =	simm.s32 @!p1 $0x1082;
	[sflag:s4] =	ssyncset.s32 $0xFFFFF086  }
0x25: {  	[simem:s6], [sflag:s4] =	dma.local [hbm:s3], $0xF7A  }
0x26: {  	[smem:$0x3F98] =	sst s1;
	(tag) =	ssettag s2;
	_ =	strace s9  }
0x27: {  	s1 =	sld [smem:$0x3FA8]  }
0x28: {  	s2 =	sld [smem:$0x3FA9]  }
0x29: {  	s4 =	sld [smem:$0x3FAB]  }
0x2a: {  	p0 =	seq.s32 s5, $0x0;
	s5 =	sld [smem:$0x3FAC]  }
0x2b: {  	s6 =	sld [smem:$0x3FAD]  }
0x2c: {  	s7 =	sld [smem:$0x3FAE]  }
0x2d: {  	s3 =	simm.s32 $0x108;
	s8 =	sld [smem:$0x3FAF]  }
0x2e: {  	s3 =	simm.s32 @!p0 $0x1082;
	s9 =	sld [smem:$0x3FB0]  }
0x2f: {  	lr =	sadd.s32 s0, s3;
	s0 =	sld [smem:$0x3FA7]  }
0x30: {  	s3 =	sld [smem:$0x3FAA]  }
0x31: {  	[smem:$0x3FB3] =	sst s10  }
0x32: {  	s10 =	sld [smem:$0x3FB1];
	_ =	sdelay $0x3  }
0x33: {  	p0 =	seq.s32 s10, $0x1;
	s10 =	sld [smem:$0x3FB3];
	_ =	sdelay $0x3  }
0x34: {  	[smem:$0x3FB3] =	sst s10  }
0x35: {  	s10 =	sld [smem:$0x3FB2];
	_ =	sdelay $0x3  }
0x36: {  	p1 =	seq.s32 s10, $0x1;
	s10 =	sld [smem:$0x3FB3];
	_ =	sdelay $0x3  }
0x37: {  	[smem:$0x3FB3] =	sst s10  }
0x38: {  	s10 =	sld [smem:$0x3FB4]  }
0x39: {  	_ = 	snop;
	(pc) =	sbr.ind lr, $3  }
0x3a: {  	_ = 	snop  }
0x3b: {  	_ = 	snop  }
0x3c: {  	p2 =	seq.s32 s10, $0x1;
	s10 =	sld [smem:$0x3FB3]  }
0x3d: {  	_ =	shalt  }
0x3e: {  	_ =	shalt  }
0x3f: {  	_ =	shalt  }
0x40: {  	_ =	shalt  }
0x41: {  	_ =	shalt  }
0x42: {  	_ =	shalt  }
0x43: {  	_ =	shalt  }
0x44: {  	_ =	shalt  }
0x45: {  	_ =	shalt  }
0x46: {  	_ =	shalt  }
0x47: {  	_ =	shalt  }
0x48: {  	_ =	shalt  }
0x49: {  	_ =	shalt  }
0x4a: {  	_ =	shalt  }
0x4b: {  	_ =	shalt  }
0x4c: {  	_ =	shalt  }
0x4d: {  	_ =	shalt  }
0x4e: {  	_ =	shalt  }
0x4f: {  	_ =	shalt  }
0x50: {  	_ =	shalt  }
0x51: {  	_ =	shalt  }
0x52: {  	_ =	shalt  }
0x53: {  	_ =	shalt  }
0x54: {  	_ =	shalt  }
0x55: {  	_ =	shalt  }
0x56: {  	_ =	shalt  }
0x57: {  	_ =	shalt  }
0x58: {  	_ =	shalt  }
0x59: {  	_ =	shalt  }
0x5a: {  	_ =	shalt  }
0x5b: {  	_ =	shalt  }
0x5c: {  	_ =	shalt  }
0x5d: {  	_ =	shalt  }
0x5e: {  	_ =	shalt  }
0x5f: {  	_ =	shalt  }
0x60: {  	_ =	shalt  }
0x61: {  	_ =	shalt  }
0x62: {  	_ =	shalt  }
0x63: {  	_ =	shalt  }
0x64: {  	_ =	shalt  }
0x65: {  	_ =	shalt  }
0x66: {  	_ =	shalt  }
0x67: {  	_ =	shalt  }
0x68: {  	_ =	shalt  }
0x69: {  	_ =	shalt  }
0x6a: {  	_ =	shalt  }
0x6b: {  	_ =	shalt  }
0x6c: {  	_ =	shalt  }
0x6d: {  	_ =	shalt  }
0x6e: {  	_ =	shalt  }
0x6f: {  	_ =	shalt  }
0x70: {  	_ =	shalt  }
0x71: {  	_ =	shalt  }
0x72: {  	_ =	shalt  }
0x73: {  	_ =	shalt  }
0x74: {  	_ =	shalt  }
0x75: {  	_ =	shalt  }
0x76: {  	_ =	shalt  }
0x77: {  	_ =	shalt  }
0x78: {  	_ =	shalt  }
0x79: {  	_ =	shalt  }
0x7a: {  	_ =	shalt  }
0x7b: {  	_ =	shalt  }
0x7c: {  	_ =	shalt  }
0x7d: {  	_ =	shalt  }
0x7e: {  	_ =	shalt  }
0x7f: {  	_ =	shalt  }
0x80: {  	_ =	shalt  }
0x81: {  	_ =	shalt  }
0x82: {  	_ =	shalt  }
0x83: {  	_ =	shalt  }
0x84: {  	_ =	shalt  }
0x85: {  	_ =	shalt  }
0x86: {  	_ =	shalt  }
0x87: {  	_ =	shalt  }
.Lfunc_end0:
.L_simem_size_0:
called_computation.1_lowered:
.L_overlay_start_0:
0x88: {  	s2 =	sld [smem:$0x3FD9]  }
0x89: {  	s3 =	sld [smem:$0x3FFE];
	_ =	sdelay $0x1  }
0x8a: {  	s1 =	srdreg.scid  }
0x8b: {  	s0 =	sand.u32 $0x1, s1  }
0x8c: {  	s17 =	sshll.u32 s0, $0xA;
	s2 =	sadd.s32 s3, s2  }
0x8d: {  	s2 =	sadd.s32 s2, s17  }
0x8e: {  	[smem:$0x3FBF] =	sst s2  }
0x8f: {  	_ = 	snop  }
0x90: {  	(tm) =	ssettm $0x1  }
0x91: {  	s18 =	sld [smem:$0x3FFB];
	_ =	sdelay $0x3  }
0x92: {  	_ =	strace s18  }
0x93: {  	s2 =	sld [smem:$0x3FFC];
	_ =	sdelay $0x3  }
0x94: {  	_ =	strace s2  }
0x95: {  	s2 =	sld [smem:$0x3FFD];
	_ =	sdelay $0x3  }
0x96: {  	_ =	strace s2  }
0x97: {  	_ =	strace $0x8FFFFFFF  }
0x98: {  	s19 =	sld [smem:$0x3FDB];
	_ =	sdelay $0x1  }
0x99: {  	s20 =	simm.s32 $_scs_section_size  }
0x9a: {  	s4 =	simm.s32 $_size__tile_overlayer_lowered;
	s5 =	simm.s32 $_tile_overlayer_lowered  }
0x9b: {  	s6 =	simm.s32 $0x1BFF;
	s21 =	sshll.u32 s5, $0x1;
	s3 =	sadd.s32 s20, s19  }
0x9c: {  	s22 =	simm.s32 $0x0;
	s4 =	sshll.u32 s4, $0x1;
	s5 =	sadd.s32 s21, s3  }
0x9d: {  	[timem:s22], [sflag:s6] =	dma.local [hbm:s5], s4  }
0x9e: {  	_ =	swait.ge [sflag:s6], s4  }
0x9f: {  	s4 =	ssub.s32 $0x0, s4;
	[sflag:s6] =	ssyncset.done $0x0  }
0xa0: {  	[sflag:s6] =	ssyncadd.s32 s4;
	_ =	sdelay $0x1  }
0xa1: {  	s23 =	simm.s32 $0x1B8B  }
0xa2: {  	_ =	swait.ge [sflag:s23], $0x1  }
0xa3: {  	[sflag:s23] =	ssyncset.done $0x0  }
0xa4: {  	[sflag:s23] =	ssyncadd.s32 $0xFFFFFFFF  }
0xa5: {  	s4 =	sld [smem:$0x0]  }
0xa6: {  	s5 =	sand.u32 $0xFFFFFFFE, s1  }
0xa7: {  	p0 =	sne.s32 s1, s5  }
0xa8: {  	s5 =	sshll.u32 @p0 s5, $0xE  }
0xa9: {  	s5 =	sadd.s32 @p0 $0x11B8D, s5;
	s6 =	sshll.u32 @p0 s4, $0x11  }
0xaa: {  	s5 =	sor.u32 @p0 s6, s5  }
0xab: {  	[sflag:s5] =	ssyncadd.remote.s32 @p0 $0x1;
	_ =	sdelay $0x1  }
0xac: {  	s5 =	simm.s32 @p0 $0x1B8D  }
0xad: {  	_ =	swait.eq @p0 [sflag:s5], $0x1  }
0xae: {  	[sflag:s5] =	ssyncadd.s32 @p0 $0xFFFFFFFF  }
0xaf: {  	s6 =	sshll.u32 @!p0 s1, $0xE  }
0xb0: {  	s6 =	sor.u32 @!p0 $0x4000, s6;
	s5 =	simm.s32 @!p0 $0x1B8D  }
0xb1: {  	s4 =	sshll.u32 @!p0 s4, $0x11;
	s6 =	sadd.s32 @!p0 $0x11B8D, s6;
	_ =	swait.eq @!p0 [sflag:s5], $0x1  }
0xb2: {  	s4 =	sor.u32 @!p0 s4, s6;
	[sflag:s5] =	ssyncadd.s32 @!p0 $0xFFFFFFFF  }
0xb3: {  	s25 =	simm.s32 $0x1B8E;
	s24 =	sld [smem:$0x3FFE];
	[sflag:s4] =	ssyncadd.remote.s32 @!p0 $0x1  }
0xb4: {  	s26 =	simm.s32 $execute0_lowered;
	[smem:$0x3FD2] =	sst s25  }
0xb5: {  	s5 =	sshll.u32 s26, $0x1;
	_ =	strace $0x80000049;
	[dreg:$0x1] =	wrdreg $0xFFFFFFFF  }
0xb6: {  	s28 =	simm.s32 $_size_execute0_lowered;
	s3 =	sadd.s32 s3, s5;
	[dreg:$0x0] =	wrdreg $0x0  }
0xb7: {  	s5 =	sshll.u32 s28, $0x1;
	[dreg:$0x2] =	wrdreg s3  }
0xb8: {  	[dreg:$0x3] =	wrdreg s5  }
0xb9: {  	[dreg:$0x4] =	wrdreg $0xC0  }
0xba: {  	_ =	task [dreg:s22], $0x5FFFF  }
0xbb: {  	[dreg:$0x1] =	wrdreg $0xFFFFFFFF  }
0xbc: {  	[dreg:$0x0] =	wrdreg $0x60  }
0xbd: {  	[dreg:$0x2] =	wrdreg s24  }
0xbe: {  	[dreg:$0x3] =	wrdreg $0xA  }
0xbf: {  	_ =	task.clear_ibuf [dreg:s22], $0x4FFFF;
	_ =	strace $0x90000049  }
0xc0: {  	s29 =	simm.s32 $0xA;
	_ =	strace $0x8000004B  }
0xc1: {  	_ =	swait.ge [sflag:s29], $0x1  }
0xc2: {  	[sflag:s29] =	ssyncadd.s32 $0xFFFFFFFF  }
0xc3: {  	_ =	strace $0x9000004B  }
0xc4: {  	_ =	sfence  }
0xc5: {  	s30 =	sld [smem:$0x0];
	_ =	sdelay $0x2  }
0xc6: {  	s31 =	sshll.u32 s1, $0xD;
	s1 =	sshrl.u32 s1, $0x2  }
0xc7: {  	s4 =	sand.u32 $0x4000, s31;
	s1 =	sadd.s32 s1, s30  }
0xc8: {  	s0 =	sor.u32 s4, s0;
	s1 =	sshll.u32 s1, $0x11  }
0xc9: {  	s0 =	sor.u32 s1, s0  }
0xca: {  	s0 =	sadd.s32 $0x8F2B, s0  }
0xcb: {  	[sflag:s0] =	ssyncadd.remote.s32 $0x1  }
0xcc: {  	_ =	sfence.sel $0xFFFF  }
0xcd: {  	[dreg:$0x0] =	wrdreg $0xFFFFFFFF;
	(pc) =	sbr.abs _section_cstart, $3  }
0xce: {  	[dreg:$0x1] =	wrdreg $0xFFFFFFFF  }
0xcf: {  	_ =	task.clear_ibuf [dreg:s22], $0x2FFFF;
	_ =	strace $0x9FFFFFFF  }
0xd0: {  	(tm) =	ssettm $0x7FFFFFFF  }
0xd1: {  	_ =	shalt  }
tec
execute0_lowered:
.L_overlay_start_1:
0x0: {  	(tag) =	ssettag $0x1  }
0x1: {  	s4 =	rddreg [dreg:$0x0]  }
0x2: {  	s0 =	rddreg [dreg:$0x1];
	s1 =	simm.s32 $0x0;
	s2 =	srdreg.scid  }
0x3: {  	s9 =	simm.s32 $0x1;
	s10 =	simm.s32 $0x0;
	[smem:$0x7FF] =	sst s1  }
.Ltmp0:
0x4: {  	s5 =	sand.u32 $0x1, s2;
	s2 =	stileid.u32;
	(pc) =	sbr.rel .LBB2_1-.Ltmp0, $4  }
0x5: {  	s3 =	sadd.s32 $0x609C00, s4;
	s4 =	sadd.s32 $0x2400, s4;
	s6 =	ssub.s32 $0x2, s5  }
0x6: {  	_ =	strace $0x8000004A;
	s8 =	sshll.u32 s2, $0x1;
	s7 =	sshrl.u32 s6, $0x1  }
0x7: {  	s5 =	sor.u32 s5, s8;
	s8 =	simm.s32 $0x2780;
	s6 =	ssub.s32 s6, s7  }
0x8: {  	v0 =	vimm.s32 $0x0;
	v1 =	vlaneseq.u32;
	s5 =	smul.u32 $0xA0, s5;
	s7 =	simm.s32 $0x2;
	s6 =	smax.u32 s6, $0x1  }
.LBB2_7:
0x9: {  	s10 =	sadd.s32 $0x1, s10  }
0xa: {  	p0 =	sne.s32 s10, s6  }
.Ltmp1:
0xb: {  	_ = 	snop;
	(pc) =	sbr.rel @!p0 .LBB2_8-.Ltmp1, $1  }
0xc: {  	_ =	sdelay $0x3  }
.LBB2_1:
.Ltmp2:
0xd: {  	(pc) =	sbr.rel .LBB2_2-.Ltmp2, $2  }
0xe: {  	_ =	sdelay $0x2  }
0xf: {  	s11 =	simm.s32 $0x0  }
.LBB2_6:
0x10: {  	s11 =	sadd.s32 $0x1, s11  }
0x11: {  	p0 =	sne.s32 s11, $0xA0  }
.Ltmp3:
0x12: {  	_ = 	snop;
	(pc) =	sbr.rel @!p0 .LBB2_7-.Ltmp3, $1  }
0x13: {  	_ =	sdelay $0x3  }
.LBB2_2:
0x14: {  	s12 =	sadd.s32 s5, s11  }
0x15: {  	p0 =	sgt.u32 s12, $0x1387  }
.Ltmp4:
0x16: {  	_ = 	snop;
	(pc) =	sbr.rel @p0 .LBB2_6-.Ltmp4, $1  }
0x17: {  	_ =	sdelay $0x3  }
0x18: {  	s13 =	smul.u32 $0x4F0, s12;
	_ =	sdelay $0x1  }
0x19: {  	s14 =	sadd.s32 s3, s13;
	s13 =	simm.s32 $0x0  }
0x1a: {  	[tilespmem:s13], [sflag:$0x2] =	stream.linear.gather [hbm4b:s14+s13], $0x2780, $0x38;
	[tilespmem:$0x2800] =	vst v63  }
0x1b: {  	_ =	swait.ge [sflag:s7], $0x2780  }
0x1c: {  	[sflag:s7] =	ssyncset.done $0x0  }
0x1d: {  	[sflag:s7] =	ssyncadd.s32 $0xFFFFD880  }
0x1e: {  	[tilespmem:$0x2780] =	vst v0  }
0x1f: {  	[tilespmem:$0x2790] =	vst v0  }
0x20: {  	[tilespmem:$0x27A0] =	vst v0  }
0x21: {  	[tilespmem:$0x27B0] =	vst v0  }
0x22: {  	s15 =	simm.s32 $0x0;
	s14 =	simm.s32 $0x10;
	v2 =	vld [tilespmem:s13+$0x0]  }
.LBB2_4:
0x23: {  	p0 =	sne.s32 s14, $0x2770;
	_ =	sdelay $0x3  }
.Ltmp5:
0x24: {  	(pc) =	sbr.rel @p0 .LBB2_4-.Ltmp5, $4  }
0x25: {  	_ = 	snop  }
0x26: {  	v3 =	vor.u32 s13, v1;
	s13 =	smov.u32 s14  }
0x27: {  	s15 =	sadd.s32 $0x10, s15;
	[tilespmem:v2+s8+$0x0] =	vst.idx.msk $0xffff, v3  }
0x28: {  	s14 =	sadd.s32 $0x10, s14;
	v2 =	vld [tilespmem:s15+$0x0]  }
0x29: {  	_ =	sdelay $0x6  }
0x2a: {  	v3 =	vor.u32 s13, v1;
	s12 =	sshll.u32 s12, $0x3  }
.Ltmp6:
0x2b: {  	s12 =	sadd.s32 s4, s12;
	[tilespmem:v2+s8+$0x0] =	vst.idx.msk $0xffff, v3;
	(pc) =	sbr.rel .LBB2_6-.Ltmp6, $4  }
0x2c: {  	[hbm4b:s12+s1] =	stream.linear.scatter [tilespmem:s8], [sflag:$0x1], $0x40, $0x38;
	[tilespmem:$0x2800] =	vst v63  }
0x2d: {  	_ =	swait.ge [sflag:s9], $0x40  }
0x2e: {  	[sflag:s9] =	ssyncset.done $0x0  }
0x2f: {  	[sflag:s9] =	ssyncadd.s32 $0xFFFFFFC0  }
.LBB2_8:
0x30: {  	_ =	sfence.sel $0x180000  }
0x31: {  	[bflag:$0x0] =	sbarrier.arrive $0xFFFF  }
0x32: {  	p0 =	sne.s32 s2, $0x0;
	_ =	strace $0x9000004A  }
0x33: {  	s0 =	sadd.s32 @!p0 $0x100000, s0;
	[bflag:$0x2] =	sbarrier.arrive $0xFFFF  }
0x34: {  	[sflag:s0] =	ssyncadd.tile.s32 @!p0 $0x1;
	_ =	shalt  }
.Lfunc_end2:
_tile_overlayer_lowered:
.L_overlay_start_2:
0x35: {  	(tag) =	ssettag $0x2  }
0x36: {  	s0 =	rddreg [dreg:$0x0];
	s2 =	stileid.u32  }
0x37: {  	s1 =	rddreg [dreg:$0x1];
	p0 =	sne.s32 s2, $0x0  }
0x38: {  	s3 =	rddreg [dreg:$0x2];
	[bflag:$0x3] =	sbarrier.arrive $0xFFFF;
	s2 =	simm.s32 @!p0 $0x1C01  }
0x39: {  	[timem:s3], [sflag:s2] =	dma.local @!p0 [hbm:s0], s1  }
0x3a: {  	s0 =	simm.s32 @!p0 $0x1  }
0x3b: {  	_ =	swait.ge @!p0 [sflag:s0], s1  }
0x3c: {  	s1 =	ssub.s32 @!p0 $0x0, s1;
	[sflag:s0] =	ssyncset.done @!p0 $0x0  }
0x3d: {  	[sflag:s0] =	ssyncadd.s32 @!p0 s1  }
0x3e: {  	[bflag:$0x3] =	sbarrier.arrive $0xFFFF  }
0x3f: {  	_ =	shalt  }

</sc_bundles>
